<compile_context>
chip_gen: v7x
topology: tpu7x:2x2x1
jax: 0.10.2.dev20260603
libtpu: 0.0.44.dev20260713+nightly
codegen_flags: <defaults>
</compile_context>

<pallas_src>
import functools

import jax
import jax.numpy as jnp
from jax import lax
from jax.experimental import pallas as pl
from jax.experimental.pallas import tpu as pltpu
from jax.experimental.pallas import tpu_sc as plsc

N_NODES = 10000
FDIM = 128
FW = 144
NC, NS = 2, 16
CH = 128
IB = 4
ACC_N = 10112
ZR = ACC_N // NS
NQ = 8

_CHUNKS = [(o, min(CH, ZR - o)) for o in range(0, ZR, CH)]
NCH = len(_CHUNKS)


def _sc_segment_sums(x_aug, src_idx, dst_idx, acc_idx, rows_per_tile):
    R = rows_per_tile
    mesh = plsc.VectorSubcoreMesh(core_axis_name="c", subcore_axis_name="s")

    @functools.partial(
        pl.kernel,
        out_type=jax.ShapeDtypeStruct((NC * ACC_N, FW), jnp.float32),
        mesh=mesh,
        compiler_params=pltpu.CompilerParams(use_tc_tiling_on_sc=False),
        scratch_types=[
            pltpu.VMEM((IB, CH), jnp.int32),
            pltpu.VMEM((IB, CH), jnp.int32),
            pltpu.VMEM((NQ, CH), jnp.int32),
            pltpu.VMEM((2, CH, FW), jnp.float32),
            pltpu.VMEM_SHARED((ACC_N, FW), jnp.float32),
            pltpu.SemaphoreType.DMA,
        ],
    )
    def agg(x_hbm, src_hbm, dst_hbm, aidx_hbm, zf_hbm,
            sum_hbm,
            src_v, dst_v, iidx_v, rows_v, acc_s, gsem):
        c = lax.axis_index("c")
        s = lax.axis_index("s")
        idx_base = pl.multiple_of((c * NS + s) * R, IB)
        out_base = pl.multiple_of(c * ACC_N + s * ZR, 8)
        pltpu.sync_copy(aidx_hbm.at[pl.ds(pl.multiple_of(s * NQ, 8), NQ)],
                        iidx_v)
        pltpu.sync_copy(zf_hbm, rows_v.at[0])
        for q in range(NCH):
            pltpu.sync_copy(rows_v.at[0], acc_s.at[iidx_v.at[q]])
        plsc.subcore_barrier()

        pltpu.sync_copy(src_hbm.at[pl.ds(idx_base, IB)], src_v)
        pltpu.async_copy(x_hbm.at[src_v.at[0]], rows_v.at[0], gsem)

        def body(p, carry):
            base = pl.multiple_of(idx_base + p * IB, IB)
            pltpu.sync_copy(dst_hbm.at[pl.ds(base, IB)], dst_v)
            for k in range(IB):
                buf = rows_v.at[k % 2]
                pltpu.make_async_copy(x_hbm.at[src_v.at[k]], buf, gsem).wait()
                if k < IB - 1:
                    pltpu.async_copy(x_hbm.at[src_v.at[k + 1]],
                                     rows_v.at[(k + 1) % 2], gsem)
                else:
                    @pl.when(p + 1 < R // IB)
                    def _():
                        pltpu.sync_copy(src_hbm.at[pl.ds(base + IB, IB)],
                                        src_v)
                        pltpu.async_copy(x_hbm.at[src_v.at[0]],
                                         rows_v.at[0], gsem)
                pltpu.sync_copy(buf, acc_s.at[dst_v.at[k]], add=True)
            return carry

        lax.fori_loop(0, R // IB, body, 0)
        plsc.subcore_barrier()
        for q, (off, ln) in enumerate(_CHUNKS):
            pltpu.sync_copy(acc_s.at[iidx_v.at[q]], rows_v.at[0])
            pltpu.sync_copy(rows_v.at[0].at[pl.ds(0, ln)],
                            sum_hbm.at[pl.ds(out_base + off, ln)])

    zf = jnp.zeros((CH, FW), jnp.float32)
    return agg(x_aug, src_idx, dst_idx, acc_idx, zf)


def _tc_head(sum_gw, cnt_gw, x_gw, sum_pf, cnt_pf, x_pf,
             W_l_p2g, b_l_p2g, W_r_p2g, W_l_g2p, b_l_g2p, W_r_g2p,
             W_lin, b_lin, prelu_a):
    B = 1000
    grid = (N_NODES // B,)

    def body(sg_ref, cg_ref, xg_ref, sp_ref, cp_ref, xp_ref,
             wlp_ref, blp_ref, wrp_ref, wlg_ref, blg_ref, wrg_ref,
             wlin_ref, blin_ref, a_ref, out_pf_ref, gw_ref):
        cg = jnp.maximum(cg_ref[:, 0:1], 1.0)
        mean_gw = sg_ref[...] / cg
        og = (jnp.dot(mean_gw, wlp_ref[...], preferred_element_type=jnp.float32)
              + blp_ref[...]
              + jnp.dot(xg_ref[...], wrp_ref[...],
                        preferred_element_type=jnp.float32))
        og = jnp.maximum(og, 0.0)
        cp = jnp.maximum(cp_ref[:, 0:1], 1.0)
        mean_pf = sp_ref[...] / cp
        op = (jnp.dot(mean_pf, wlg_ref[...], preferred_element_type=jnp.float32)
              + blg_ref[...]
              + jnp.dot(xp_ref[...], wrg_ref[...],
                        preferred_element_type=jnp.float32))
        out_pf_ref[...] = jnp.maximum(op, 0.0)
        g = (jnp.dot(og, wlin_ref[...], preferred_element_type=jnp.float32)
             + blin_ref[...])
        gw_ref[...] = jnp.where(g >= 0.0, g, a_ref[0, 0] * g)

    row_spec = pl.BlockSpec((B, FDIM), lambda i: (i, 0))
    cnt_spec = pl.BlockSpec((B, 16), lambda i: (i, 0))
    full = lambda r, c: pl.BlockSpec((r, c), lambda i: (0, 0))
    out_pf, gw = pl.pallas_call(
        body,
        grid=grid,
        in_specs=[row_spec, cnt_spec, row_spec, row_spec, cnt_spec, row_spec,
                  full(FDIM, FDIM), full(1, FDIM), full(FDIM, FDIM),
                  full(FDIM, FDIM), full(1, FDIM), full(FDIM, FDIM),
                  full(FDIM, 1), full(1, 1), full(1, 1)],
        out_specs=[pl.BlockSpec((B, FDIM), lambda i: (i, 0)),
                   pl.BlockSpec((B, 1), lambda i: (i, 0))],
        out_shape=[jax.ShapeDtypeStruct((N_NODES, FDIM), jnp.float32),
                   jax.ShapeDtypeStruct((N_NODES, 1), jnp.float32)],
    )(sum_gw, cnt_gw, x_gw, sum_pf, cnt_pf, x_pf,
      W_l_p2g, b_l_p2g.reshape(1, FDIM), W_r_p2g,
      W_l_g2p, b_l_g2p.reshape(1, FDIM), W_r_g2p,
      W_lin, b_lin.reshape(1, 1), prelu_a.reshape(1, 1))
    return out_pf, gw


def kernel(x_pfas_sites, x_gw_wells, edge_index_p2g, edge_index_g2p,
           W_l_p2g, b_l_p2g, W_r_p2g, W_l_g2p, b_l_g2p, W_r_g2p,
           W_lin, b_lin, prelu_a):
    E = edge_index_p2g.shape[1]
    R = -(-E // (NS * CH * IB)) * IB
    e_pad = NS * CH * R - E

    x_all = jnp.concatenate([x_pfas_sites, x_gw_wells], axis=0)
    x_aug = jnp.concatenate(
        [x_all,
         jnp.ones((2 * N_NODES, 1), jnp.float32),
         jnp.zeros((2 * N_NODES, FW - FDIM - 1), jnp.float32)], axis=1)
    pad_src = (jnp.arange(e_pad, dtype=jnp.int32) * 997) % N_NODES
    pad_dst = N_NODES + (jnp.arange(e_pad, dtype=jnp.int32) % (ACC_N - N_NODES))
    src = jnp.concatenate([
        edge_index_p2g[0], pad_src,
        edge_index_g2p[0] + N_NODES, pad_src + N_NODES,
    ]).reshape(NC * NS * R, CH)
    dst = jnp.concatenate([
        edge_index_p2g[1], pad_dst,
        edge_index_g2p[1], pad_dst,
    ]).reshape(NC * NS * R, CH)

    chunk_rows = jnp.minimum(
        jnp.arange(NQ, dtype=jnp.int32)[:, None] * CH
        + jnp.arange(CH, dtype=jnp.int32)[None, :], ZR - 1)
    acc_idx = (jnp.arange(NS, dtype=jnp.int32)[:, None, None] * ZR
               + chunk_rows[None]).reshape(NS * NQ, CH)

    sums = _sc_segment_sums(x_aug, src, dst, acc_idx, R)
    sums = sums.reshape(NC, ACC_N, FW)

    return _tc_head(sums[0, :N_NODES, :FDIM], sums[0, :N_NODES, FDIM:],
                    x_gw_wells,
                    sums[1, :N_NODES, :FDIM], sums[1, :N_NODES, FDIM:],
                    x_pfas_sites,
                    W_l_p2g, b_l_p2g, W_r_p2g, W_l_g2p, b_l_g2p, W_r_g2p,
                    W_lin, b_lin, prelu_a)

# --- scband reference (transcript-rebuilt; emitter-appended) ---
"""Pipeline reference for scband-main-gnnmodel-29154238005707 (READ-ONLY COPY).

The authoritative reference and input builder live on the scoring server;
editing this copy changes nothing except your own understanding.
"""

import jax, jax.numpy as jnp
import numpy as np

N_P = 10000
N_G = 10000
E = 320000
D = 128
OUT = 128


def setup_inputs(seed: int = 0) -> dict:
    key = jax.random.key(seed)
    ks = jax.random.split(key, 16)
    s = 1.0 / np.sqrt(D)
    inp = {}
    inp['x_pfas_sites'] = jax.random.normal(ks[0], (N_P, D), jnp.float32)
    inp['x_gw_wells'] = jax.random.normal(ks[1], (N_G, D), jnp.float32)
    src_p2g = jax.random.randint(ks[2], (E,), 0, N_P, dtype=jnp.int32)
    dst_p2g = jax.random.randint(ks[3], (E,), 0, N_G, dtype=jnp.int32)
    inp['edge_index_p2g'] = jnp.stack([src_p2g, dst_p2g], axis=0)
    src_g2p = jax.random.randint(ks[4], (E,), 0, N_G, dtype=jnp.int32)
    dst_g2p = jax.random.randint(ks[5], (E,), 0, N_P, dtype=jnp.int32)
    inp['edge_index_g2p'] = jnp.stack([src_g2p, dst_g2p], axis=0)
    # SAGEConv params for relation ('pfas_sites','distance','gw_wells')
    inp['W_l_p2g'] = jax.random.normal(ks[6], (D, OUT), jnp.float32) * s
    inp['b_l_p2g'] = jnp.zeros((OUT,), jnp.float32)
    inp['W_r_p2g'] = jax.random.normal(ks[7], (D, OUT), jnp.float32) * s
    # SAGEConv params for relation ('gw_wells','distance','pfas_sites')
    inp['W_l_g2p'] = jax.random.normal(ks[8], (D, OUT), jnp.float32) * s
    inp['b_l_g2p'] = jnp.zeros((OUT,), jnp.float32)
    inp['W_r_g2p'] = jax.random.normal(ks[9], (D, OUT), jnp.float32) * s
    # final linear + PReLU
    inp['W_lin'] = jax.random.normal(ks[10], (OUT, 1), jnp.float32) * (1.0 / np.sqrt(OUT))
    inp['b_lin'] = jnp.zeros((1,), jnp.float32)
    inp['prelu_a'] = jnp.array(0.25, jnp.float32)
    return inp


def _sage(x_src, x_dst, edge_index, W_l, b_l, W_r, n_dst):
    # SAGEConv: mean-aggregate neighbor feats, lin_l(agg) + lin_r(x_dst)
    src = edge_index[0]
    dst = edge_index[1]
    msgs = jnp.take(x_src, src, axis=0)
    summed = jax.ops.segment_sum(msgs, dst, num_segments=n_dst)
    cnt = jax.ops.segment_sum(jnp.ones((edge_index.shape[1],), jnp.float32), dst, num_segments=n_dst)
    mean = summed / jnp.clip(cnt, 1.0, None)[:, None]
    return mean @ W_l + b_l + x_dst @ W_r


def reference(x_pfas_sites, x_gw_wells, edge_index_p2g, edge_index_g2p,
              W_l_p2g, b_l_p2g, W_r_p2g, W_l_g2p, b_l_g2p, W_r_g2p,
              W_lin, b_lin, prelu_a):
    # HeteroConv with aggr='sum'; each dst type has exactly one incoming relation
    out_gw = _sage(x_pfas_sites, x_gw_wells, edge_index_p2g, W_l_p2g, b_l_p2g, W_r_p2g, N_G)
    out_pf = _sage(x_gw_wells, x_pfas_sites, edge_index_g2p, W_l_g2p, b_l_g2p, W_r_g2p, N_P)
    out_pf = jax.nn.relu(out_pf)
    out_gw = jax.nn.relu(out_gw)
    gw = out_gw @ W_lin + b_lin
    gw = jnp.where(gw >= 0, gw, prelu_a * gw)
    return (out_pf, gw)

if __name__ == "__main__":
    import jax
    _d = setup_inputs()
    print(jax.jit(kernel)(*tuple(_d.values())))

</pallas_src>

<mosaic_0001>
#map = affine_map<(d0, d1) -> (0, 0)>
module attributes {stable_mosaic.version = 14 : i64} {
  func.func @agg(%arg0: i32, %arg1: i32, %arg2: memref<20000x144xf32, #tpu.memory_space<hbm>>, %arg3: memref<5120x128xi32, #tpu.memory_space<hbm>>, %arg4: memref<5120x128xi32, #tpu.memory_space<hbm>>, %arg5: memref<128x128xi32, #tpu.memory_space<hbm>>, %arg6: memref<128x144xf32, #tpu.memory_space<hbm>>, %arg7: memref<20224x144xf32, #tpu.memory_space<hbm>>, %arg8: memref<4x128xi32, #tpu.memory_space<vmem>>, %arg9: memref<4x128xi32, #tpu.memory_space<vmem>>, %arg10: memref<8x128xi32, #tpu.memory_space<vmem>>, %arg11: memref<2x128x144xf32, #tpu.memory_space<vmem>>, %arg12: memref<10112x144xf32, #tpu.memory_space<vmem_shared>>, %arg13: memref<!tpu.dma_semaphore, #tpu.memory_space<semaphore_mem>>) attributes {dimension_semantics = [#tpu.dimension_semantics<core_parallel>, #tpu.dimension_semantics<subcore_parallel>], iteration_bounds = array<i64: 2, 16>, scalar_prefetch = 0 : i64, scratch_operands = 6 : i64, tpu.core_type = #tpu.core_type<sc_vector_subcore>, window_params = [{transform_indices = #map}, {transform_indices = #map}, {transform_indices = #map}, {transform_indices = #map}, {transform_indices = #map}, {transform_indices = #map}]} {
    %mul3A = arith.constant 16 : i32
    %mul3A_0 = arith.muli %arg0, %mul3A : i32
    %add3A = arith.addi %mul3A_0, %arg1 : i32
    %mul3A_1 = arith.constant 160 : i32
    %mul3A_2 = arith.muli %add3A, %mul3A_1 : i32
    %multiple_of3A = tpu.assume_multiple %mul3A_2, 4 : i32
    %mul3A_3 = arith.constant 10112 : i32
    %mul3A_4 = arith.muli %arg0, %mul3A_3 : i32
    %mul3A_5 = arith.constant 632 : i32
    %mul3A_6 = arith.muli %arg1, %mul3A_5 : i32
    %add3A_7 = arith.addi %mul3A_4, %mul3A_6 : i32
    %multiple_of3A_8 = tpu.assume_multiple %add3A_7, 8 : i32
    %mul3A_9 = arith.constant 8 : i32
    %mul3A_10 = arith.muli %arg1, %mul3A_9 : i32
    %multiple_of3A_11 = tpu.assume_multiple %mul3A_10, 8 : i32
    "tpu.region"() ({
      %run_scoped3A_64 = tpu.sem_alloc : memref<!tpu.dma_semaphore, #tpu.memory_space<semaphore_mem>>
      %dma_start3A_65 = arith.constant 0 : i32
      %dma_start3A_66 = tpu.memref_slice %arg5[%multiple_of3A_11, %dma_start3A_65] : memref<128x128xi32, #tpu.memory_space<hbm>> -> memref<8x128xi32, #tpu.memory_space<hbm>>
      %dma_start3A_67 = arith.constant 0 : i32
      %dma_start3A_68 = tpu.memref_slice %arg5[%multiple_of3A_11, %dma_start3A_67] : memref<128x128xi32, #tpu.memory_space<hbm>> -> memref<8x128xi32, #tpu.memory_space<hbm>>
      tpu.enqueue_dma source(%dma_start3A_68 : memref<8x128xi32, #tpu.memory_space<hbm>>) target(%arg10 : memref<8x128xi32, #tpu.memory_space<vmem>>) target_semaphore(%run_scoped3A_64 : memref<!tpu.dma_semaphore, #tpu.memory_space<semaphore_mem>>)
      %dma_wait3A = arith.constant 0 : i32
      %dma_wait3A_69 = tpu.memref_slice %arg5[%multiple_of3A_11, %dma_wait3A] : memref<128x128xi32, #tpu.memory_space<hbm>> -> memref<8x128xi32, #tpu.memory_space<hbm>>
      %dma_wait3A_70 = arith.constant 0 : i32
      %dma_wait3A_71 = tpu.memref_slice %arg5[%multiple_of3A_11, %dma_wait3A_70] : memref<128x128xi32, #tpu.memory_space<hbm>> -> memref<8x128xi32, #tpu.memory_space<hbm>>
      tpu.wait_dma2 semaphore(%run_scoped3A_64 : memref<!tpu.dma_semaphore, #tpu.memory_space<semaphore_mem>>) src(%dma_wait3A_71 : memref<8x128xi32, #tpu.memory_space<hbm>>) dst(%arg10 : memref<8x128xi32, #tpu.memory_space<vmem>>)
      tpu.yield
    }) : () -> ()
    %run_scoped3A = arith.constant 0 : i32
    "tpu.region"() ({
      %run_scoped3A_64 = tpu.sem_alloc : memref<!tpu.dma_semaphore, #tpu.memory_space<semaphore_mem>>
      %dma_start3A_65 = arith.constant 0 : i32
      %dma_start3A_66 = arith.constant 0 : i32
      %dma_start3A_67 = tpu.memref_slice %arg11[%run_scoped3A, %dma_start3A_65, %dma_start3A_66] : memref<2x128x144xf32, #tpu.memory_space<vmem>> -> memref<1x128x144xf32, #tpu.memory_space<vmem>>
      %dma_start3A_68 = tpu.memref_squeeze %dma_start3A_67 : memref<1x128x144xf32, #tpu.memory_space<vmem>> -> memref<128x144xf32, #tpu.memory_space<vmem>>
      %dma_start3A_69 = arith.constant 0 : i32
      %dma_start3A_70 = arith.constant 0 : i32
      %dma_start3A_71 = tpu.memref_slice %arg11[%run_scoped3A, %dma_start3A_69, %dma_start3A_70] : memref<2x128x144xf32, #tpu.memory_space<vmem>> -> memref<1x128x144xf32, #tpu.memory_space<vmem>>
      %dma_start3A_72 = tpu.memref_squeeze %dma_start3A_71 : memref<1x128x144xf32, #tpu.memory_space<vmem>> -> memref<128x144xf32, #tpu.memory_space<vmem>>
      tpu.enqueue_dma source(%arg6 : memref<128x144xf32, #tpu.memory_space<hbm>>) target(%dma_start3A_72 : memref<128x144xf32, #tpu.memory_space<vmem>>) target_semaphore(%run_scoped3A_64 : memref<!tpu.dma_semaphore, #tpu.memory_space<semaphore_mem>>)
      %dma_wait3A = arith.constant 0 : i32
      %dma_wait3A_73 = arith.constant 0 : i32
      %dma_wait3A_74 = tpu.memref_slice %arg11[%run_scoped3A, %dma_wait3A, %dma_wait3A_73] : memref<2x128x144xf32, #tpu.memory_space<vmem>> -> memref<1x128x144xf32, #tpu.memory_space<vmem>>
      %dma_wait3A_75 = tpu.memref_squeeze %dma_wait3A_74 : memref<1x128x144xf32, #tpu.memory_space<vmem>> -> memref<128x144xf32, #tpu.memory_space<vmem>>
      %dma_wait3A_76 = arith.constant 0 : i32
      %dma_wait3A_77 = arith.constant 0 : i32
      %dma_wait3A_78 = tpu.memref_slice %arg11[%run_scoped3A, %dma_wait3A_76, %dma_wait3A_77] : memref<2x128x144xf32, #tpu.memory_space<vmem>> -> memref<1x128x144xf32, #tpu.memory_space<vmem>>
      %dma_wait3A_79 = tpu.memref_squeeze %dma_wait3A_78 : memref<1x128x144xf32, #tpu.memory_space<vmem>> -> memref<128x144xf32, #tpu.memory_space<vmem>>
      tpu.wait_dma2 semaphore(%run_scoped3A_64 : memref<!tpu.dma_semaphore, #tpu.memory_space<semaphore_mem>>) src(%arg6 : memref<128x144xf32, #tpu.memory_space<hbm>>) dst(%dma_wait3A_79 : memref<128x144xf32, #tpu.memory_space<vmem>>)
      tpu.yield
    }) : () -> ()
    %run_scoped3A_12 = arith.constant 0 : i32
    %run_scoped3A_13 = arith.constant 0 : i32
    "tpu.region"() ({
      %run_scoped3A_64 = tpu.sem_alloc : memref<!tpu.dma_semaphore, #tpu.memory_space<semaphore_mem>>
      %dma_start3A_65 = arith.constant 0 : i32
      %dma_start3A_66 = arith.constant 0 : i32
      %dma_start3A_67 = tpu.memref_slice %arg11[%run_scoped3A_12, %dma_start3A_65, %dma_start3A_66] : memref<2x128x144xf32, #tpu.memory_space<vmem>> -> memref<1x128x144xf32, #tpu.memory_space<vmem>>
      %dma_start3A_68 = tpu.memref_squeeze %dma_start3A_67 : memref<1x128x144xf32, #tpu.memory_space<vmem>> -> memref<128x144xf32, #tpu.memory_space<vmem>>
      %dma_start3A_69 = arith.constant 0 : i32
      %dma_start3A_70 = tpu.memref_slice %arg10[%run_scoped3A_13, %dma_start3A_69] : memref<8x128xi32, #tpu.memory_space<vmem>> -> memref<1x128xi32, #tpu.memory_space<vmem>>
      %dma_start3A_71 = tpu.memref_squeeze %dma_start3A_70 : memref<1x128xi32, #tpu.memory_space<vmem>> -> memref<128xi32, #tpu.memory_space<vmem>>
      %dma_start3A_72 = arith.constant 0 : i32
      %dma_start3A_73 = arith.constant 0 : i32
      %dma_start3A_74 = tpu.memref_slice %arg12[%dma_start3A_72, %dma_start3A_73] : memref<10112x144xf32, #tpu.memory_space<vmem_shared>> -> memref<10112x144xf32, #tpu.memory_space<vmem_shared>>
      tpu.enqueue_indirect_dma source(%dma_start3A_68 : memref<128x144xf32, #tpu.memory_space<vmem>>) target(%dma_start3A_74 : memref<10112x144xf32, #tpu.memory_space<vmem_shared>>) offsets(%dma_start3A_71 : memref<128xi32, #tpu.memory_space<vmem>>) semaphore(%run_scoped3A_64 : memref<!tpu.dma_semaphore, #tpu.memory_space<semaphore_mem>>)
      %dma_wait3A = arith.constant 0 : i32
      %dma_wait3A_75 = arith.constant 0 : i32
      %dma_wait3A_76 = tpu.memref_slice %arg11[%run_scoped3A_12, %dma_wait3A, %dma_wait3A_75] : memref<2x128x144xf32, #tpu.memory_space<vmem>> -> memref<1x128x144xf32, #tpu.memory_space<vmem>>
      %dma_wait3A_77 = tpu.memref_squeeze %dma_wait3A_76 : memref<1x128x144xf32, #tpu.memory_space<vmem>> -> memref<128x144xf32, #tpu.memory_space<vmem>>
      %dma_wait3A_78 = arith.constant 0 : i32
      %dma_wait3A_79 = tpu.memref_slice %arg10[%run_scoped3A_13, %dma_wait3A_78] : memref<8x128xi32, #tpu.memory_space<vmem>> -> memref<1x128xi32, #tpu.memory_space<vmem>>
      %dma_wait3A_80 = tpu.memref_squeeze %dma_wait3A_79 : memref<1x128xi32, #tpu.memory_space<vmem>> -> memref<128xi32, #tpu.memory_space<vmem>>
      %dma_wait3A_81 = arith.constant 0 : i32
      %dma_wait3A_82 = arith.constant 0 : i32
      %dma_wait3A_83 = tpu.memref_slice %arg12[%dma_wait3A_81, %dma_wait3A_82] : memref<10112x144xf32, #tpu.memory_space<vmem_shared>> -> memref<10112x144xf32, #tpu.memory_space<vmem_shared>>
      tpu.wait_indirect_dma semaphore(%run_scoped3A_64 : memref<!tpu.dma_semaphore, #tpu.memory_space<semaphore_mem>>) src(%dma_wait3A_77 : memref<128x144xf32, #tpu.memory_space<vmem>>) dst(%dma_wait3A_83 : memref<10112x144xf32, #tpu.memory_space<vmem_shared>>)
      tpu.yield
    }) : () -> ()
    %run_scoped3A_14 = arith.constant 0 : i32
    %run_scoped3A_15 = arith.constant 1 : i32
    "tpu.region"() ({
      %run_scoped3A_64 = tpu.sem_alloc : memref<!tpu.dma_semaphore, #tpu.memory_space<semaphore_mem>>
      %dma_start3A_65 = arith.constant 0 : i32
      %dma_start3A_66 = arith.constant 0 : i32
      %dma_start3A_67 = tpu.memref_slice %arg11[%run_scoped3A_14, %dma_start3A_65, %dma_start3A_66] : memref<2x128x144xf32, #tpu.memory_space<vmem>> -> memref<1x128x144xf32, #tpu.memory_space<vmem>>
      %dma_start3A_68 = tpu.memref_squeeze %dma_start3A_67 : memref<1x128x144xf32, #tpu.memory_space<vmem>> -> memref<128x144xf32, #tpu.memory_space<vmem>>
      %dma_start3A_69 = arith.constant 0 : i32
      %dma_start3A_70 = tpu.memref_slice %arg10[%run_scoped3A_15, %dma_start3A_69] : memref<8x128xi32, #tpu.memory_space<vmem>> -> memref<1x128xi32, #tpu.memory_space<vmem>>
      %dma_start3A_71 = tpu.memref_squeeze %dma_start3A_70 : memref<1x128xi32, #tpu.memory_space<vmem>> -> memref<128xi32, #tpu.memory_space<vmem>>
      %dma_start3A_72 = arith.constant 0 : i32
      %dma_start3A_73 = arith.constant 0 : i32
      %dma_start3A_74 = tpu.memref_slice %arg12[%dma_start3A_72, %dma_start3A_73] : memref<10112x144xf32, #tpu.memory_space<vmem_shared>> -> memref<10112x144xf32, #tpu.memory_space<vmem_shared>>
      tpu.enqueue_indirect_dma source(%dma_start3A_68 : memref<128x144xf32, #tpu.memory_space<vmem>>) target(%dma_start3A_74 : memref<10112x144xf32, #tpu.memory_space<vmem_shared>>) offsets(%dma_start3A_71 : memref<128xi32, #tpu.memory_space<vmem>>) semaphore(%run_scoped3A_64 : memref<!tpu.dma_semaphore, #tpu.memory_space<semaphore_mem>>)
      %dma_wait3A = arith.constant 0 : i32
      %dma_wait3A_75 = arith.constant 0 : i32
      %dma_wait3A_76 = tpu.memref_slice %arg11[%run_scoped3A_14, %dma_wait3A, %dma_wait3A_75] : memref<2x128x144xf32, #tpu.memory_space<vmem>> -> memref<1x128x144xf32, #tpu.memory_space<vmem>>
      %dma_wait3A_77 = tpu.memref_squeeze %dma_wait3A_76 : memref<1x128x144xf32, #tpu.memory_space<vmem>> -> memref<128x144xf32, #tpu.memory_space<vmem>>
      %dma_wait3A_78 = arith.constant 0 : i32
      %dma_wait3A_79 = tpu.memref_slice %arg10[%run_scoped3A_15, %dma_wait3A_78] : memref<8x128xi32, #tpu.memory_space<vmem>> -> memref<1x128xi32, #tpu.memory_space<vmem>>
      %dma_wait3A_80 = tpu.memref_squeeze %dma_wait3A_79 : memref<1x128xi32, #tpu.memory_space<vmem>> -> memref<128xi32, #tpu.memory_space<vmem>>
      %dma_wait3A_81 = arith.constant 0 : i32
      %dma_wait3A_82 = arith.constant 0 : i32
      %dma_wait3A_83 = tpu.memref_slice %arg12[%dma_wait3A_81, %dma_wait3A_82] : memref<10112x144xf32, #tpu.memory_space<vmem_shared>> -> memref<10112x144xf32, #tpu.memory_space<vmem_shared>>
      tpu.wait_indirect_dma semaphore(%run_scoped3A_64 : memref<!tpu.dma_semaphore, #tpu.memory_space<semaphore_mem>>) src(%dma_wait3A_77 : memref<128x144xf32, #tpu.memory_space<vmem>>) dst(%dma_wait3A_83 : memref<10112x144xf32, #tpu.memory_space<vmem_shared>>)
      tpu.yield
    }) : () -> ()
    %run_scoped3A_16 = arith.constant 0 : i32
    %run_scoped3A_17 = arith.constant 2 : i32
    "tpu.region"() ({
      %run_scoped3A_64 = tpu.sem_alloc : memref<!tpu.dma_semaphore, #tpu.memory_space<semaphore_mem>>
      %dma_start3A_65 = arith.constant 0 : i32
      %dma_start3A_66 = arith.constant 0 : i32
      %dma_start3A_67 = tpu.memref_slice %arg11[%run_scoped3A_16, %dma_start3A_65, %dma_start3A_66] : memref<2x128x144xf32, #tpu.memory_space<vmem>> -> memref<1x128x144xf32, #tpu.memory_space<vmem>>
      %dma_start3A_68 = tpu.memref_squeeze %dma_start3A_67 : memref<1x128x144xf32, #tpu.memory_space<vmem>> -> memref<128x144xf32, #tpu.memory_space<vmem>>
      %dma_start3A_69 = arith.constant 0 : i32
      %dma_start3A_70 = tpu.memref_slice %arg10[%run_scoped3A_17, %dma_start3A_69] : memref<8x128xi32, #tpu.memory_space<vmem>> -> memref<1x128xi32, #tpu.memory_space<vmem>>
      %dma_start3A_71 = tpu.memref_squeeze %dma_start3A_70 : memref<1x128xi32, #tpu.memory_space<vmem>> -> memref<128xi32, #tpu.memory_space<vmem>>
      %dma_start3A_72 = arith.constant 0 : i32
      %dma_start3A_73 = arith.constant 0 : i32
      %dma_start3A_74 = tpu.memref_slice %arg12[%dma_start3A_72, %dma_start3A_73] : memref<10112x144xf32, #tpu.memory_space<vmem_shared>> -> memref<10112x144xf32, #tpu.memory_space<vmem_shared>>
      tpu.enqueue_indirect_dma source(%dma_start3A_68 : memref<128x144xf32, #tpu.memory_space<vmem>>) target(%dma_start3A_74 : memref<10112x144xf32, #tpu.memory_space<vmem_shared>>) offsets(%dma_start3A_71 : memref<128xi32, #tpu.memory_space<vmem>>) semaphore(%run_scoped3A_64 : memref<!tpu.dma_semaphore, #tpu.memory_space<semaphore_mem>>)
      %dma_wait3A = arith.constant 0 : i32
      %dma_wait3A_75 = arith.constant 0 : i32
      %dma_wait3A_76 = tpu.memref_slice %arg11[%run_scoped3A_16, %dma_wait3A, %dma_wait3A_75] : memref<2x128x144xf32, #tpu.memory_space<vmem>> -> memref<1x128x144xf32, #tpu.memory_space<vmem>>
      %dma_wait3A_77 = tpu.memref_squeeze %dma_wait3A_76 : memref<1x128x144xf32, #tpu.memory_space<vmem>> -> memref<128x144xf32, #tpu.memory_space<vmem>>
      %dma_wait3A_78 = arith.constant 0 : i32
      %dma_wait3A_79 = tpu.memref_slice %arg10[%run_scoped3A_17, %dma_wait3A_78] : memref<8x128xi32, #tpu.memory_space<vmem>> -> memref<1x128xi32, #tpu.memory_space<vmem>>
      %dma_wait3A_80 = tpu.memref_squeeze %dma_wait3A_79 : memref<1x128xi32, #tpu.memory_space<vmem>> -> memref<128xi32, #tpu.memory_space<vmem>>
      %dma_wait3A_81 = arith.constant 0 : i32
      %dma_wait3A_82 = arith.constant 0 : i32
      %dma_wait3A_83 = tpu.memref_slice %arg12[%dma_wait3A_81, %dma_wait3A_82] : memref<10112x144xf32, #tpu.memory_space<vmem_shared>> -> memref<10112x144xf32, #tpu.memory_space<vmem_shared>>
      tpu.wait_indirect_dma semaphore(%run_scoped3A_64 : memref<!tpu.dma_semaphore, #tpu.memory_space<semaphore_mem>>) src(%dma_wait3A_77 : memref<128x144xf32, #tpu.memory_space<vmem>>) dst(%dma_wait3A_83 : memref<10112x144xf32, #tpu.memory_space<vmem_shared>>)
      tpu.yield
    }) : () -> ()
    %run_scoped3A_18 = arith.constant 0 : i32
    %run_scoped3A_19 = arith.constant 3 : i32
    "tpu.region"() ({
      %run_scoped3A_64 = tpu.sem_alloc : memref<!tpu.dma_semaphore, #tpu.memory_space<semaphore_mem>>
      %dma_start3A_65 = arith.constant 0 : i32
      %dma_start3A_66 = arith.constant 0 : i32
      %dma_start3A_67 = tpu.memref_slice %arg11[%run_scoped3A_18, %dma_start3A_65, %dma_start3A_66] : memref<2x128x144xf32, #tpu.memory_space<vmem>> -> memref<1x128x144xf32, #tpu.memory_space<vmem>>
      %dma_start3A_68 = tpu.memref_squeeze %dma_start3A_67 : memref<1x128x144xf32, #tpu.memory_space<vmem>> -> memref<128x144xf32, #tpu.memory_space<vmem>>
      %dma_start3A_69 = arith.constant 0 : i32
      %dma_start3A_70 = tpu.memref_slice %arg10[%run_scoped3A_19, %dma_start3A_69] : memref<8x128xi32, #tpu.memory_space<vmem>> -> memref<1x128xi32, #tpu.memory_space<vmem>>
      %dma_start3A_71 = tpu.memref_squeeze %dma_start3A_70 : memref<1x128xi32, #tpu.memory_space<vmem>> -> memref<128xi32, #tpu.memory_space<vmem>>
      %dma_start3A_72 = arith.constant 0 : i32
      %dma_start3A_73 = arith.constant 0 : i32
      %dma_start3A_74 = tpu.memref_slice %arg12[%dma_start3A_72, %dma_start3A_73] : memref<10112x144xf32, #tpu.memory_space<vmem_shared>> -> memref<10112x144xf32, #tpu.memory_space<vmem_shared>>
      tpu.enqueue_indirect_dma source(%dma_start3A_68 : memref<128x144xf32, #tpu.memory_space<vmem>>) target(%dma_start3A_74 : memref<10112x144xf32, #tpu.memory_space<vmem_shared>>) offsets(%dma_start3A_71 : memref<128xi32, #tpu.memory_space<vmem>>) semaphore(%run_scoped3A_64 : memref<!tpu.dma_semaphore, #tpu.memory_space<semaphore_mem>>)
      %dma_wait3A = arith.constant 0 : i32
      %dma_wait3A_75 = arith.constant 0 : i32
      %dma_wait3A_76 = tpu.memref_slice %arg11[%run_scoped3A_18, %dma_wait3A, %dma_wait3A_75] : memref<2x128x144xf32, #tpu.memory_space<vmem>> -> memref<1x128x144xf32, #tpu.memory_space<vmem>>
      %dma_wait3A_77 = tpu.memref_squeeze %dma_wait3A_76 : memref<1x128x144xf32, #tpu.memory_space<vmem>> -> memref<128x144xf32, #tpu.memory_space<vmem>>
      %dma_wait3A_78 = arith.constant 0 : i32
      %dma_wait3A_79 = tpu.memref_slice %arg10[%run_scoped3A_19, %dma_wait3A_78] : memref<8x128xi32, #tpu.memory_space<vmem>> -> memref<1x128xi32, #tpu.memory_space<vmem>>
      %dma_wait3A_80 = tpu.memref_squeeze %dma_wait3A_79 : memref<1x128xi32, #tpu.memory_space<vmem>> -> memref<128xi32, #tpu.memory_space<vmem>>
      %dma_wait3A_81 = arith.constant 0 : i32
      %dma_wait3A_82 = arith.constant 0 : i32
      %dma_wait3A_83 = tpu.memref_slice %arg12[%dma_wait3A_81, %dma_wait3A_82] : memref<10112x144xf32, #tpu.memory_space<vmem_shared>> -> memref<10112x144xf32, #tpu.memory_space<vmem_shared>>
      tpu.wait_indirect_dma semaphore(%run_scoped3A_64 : memref<!tpu.dma_semaphore, #tpu.memory_space<semaphore_mem>>) src(%dma_wait3A_77 : memref<128x144xf32, #tpu.memory_space<vmem>>) dst(%dma_wait3A_83 : memref<10112x144xf32, #tpu.memory_space<vmem_shared>>)
      tpu.yield
    }) : () -> ()
    %run_scoped3A_20 = arith.constant 0 : i32
    %run_scoped3A_21 = arith.constant 4 : i32
    "tpu.region"() ({
      %run_scoped3A_64 = tpu.sem_alloc : memref<!tpu.dma_semaphore, #tpu.memory_space<semaphore_mem>>
      %dma_start3A_65 = arith.constant 0 : i32
      %dma_start3A_66 = arith.constant 0 : i32
      %dma_start3A_67 = tpu.memref_slice %arg11[%run_scoped3A_20, %dma_start3A_65, %dma_start3A_66] : memref<2x128x144xf32, #tpu.memory_space<vmem>> -> memref<1x128x144xf32, #tpu.memory_space<vmem>>
      %dma_start3A_68 = tpu.memref_squeeze %dma_start3A_67 : memref<1x128x144xf32, #tpu.memory_space<vmem>> -> memref<128x144xf32, #tpu.memory_space<vmem>>
      %dma_start3A_69 = arith.constant 0 : i32
      %dma_start3A_70 = tpu.memref_slice %arg10[%run_scoped3A_21, %dma_start3A_69] : memref<8x128xi32, #tpu.memory_space<vmem>> -> memref<1x128xi32, #tpu.memory_space<vmem>>
      %dma_start3A_71 = tpu.memref_squeeze %dma_start3A_70 : memref<1x128xi32, #tpu.memory_space<vmem>> -> memref<128xi32, #tpu.memory_space<vmem>>
      %dma_start3A_72 = arith.constant 0 : i32
      %dma_start3A_73 = arith.constant 0 : i32
      %dma_start3A_74 = tpu.memref_slice %arg12[%dma_start3A_72, %dma_start3A_73] : memref<10112x144xf32, #tpu.memory_space<vmem_shared>> -> memref<10112x144xf32, #tpu.memory_space<vmem_shared>>
      tpu.enqueue_indirect_dma source(%dma_start3A_68 : memref<128x144xf32, #tpu.memory_space<vmem>>) target(%dma_start3A_74 : memref<10112x144xf32, #tpu.memory_space<vmem_shared>>) offsets(%dma_start3A_71 : memref<128xi32, #tpu.memory_space<vmem>>) semaphore(%run_scoped3A_64 : memref<!tpu.dma_semaphore, #tpu.memory_space<semaphore_mem>>)
      %dma_wait3A = arith.constant 0 : i32
      %dma_wait3A_75 = arith.constant 0 : i32
      %dma_wait3A_76 = tpu.memref_slice %arg11[%run_scoped3A_20, %dma_wait3A, %dma_wait3A_75] : memref<2x128x144xf32, #tpu.memory_space<vmem>> -> memref<1x128x144xf32, #tpu.memory_space<vmem>>
      %dma_wait3A_77 = tpu.memref_squeeze %dma_wait3A_76 : memref<1x128x144xf32, #tpu.memory_space<vmem>> -> memref<128x144xf32, #tpu.memory_space<vmem>>
      %dma_wait3A_78 = arith.constant 0 : i32
      %dma_wait3A_79 = tpu.memref_slice %arg10[%run_scoped3A_21, %dma_wait3A_78] : memref<8x128xi32, #tpu.memory_space<vmem>> -> memref<1x128xi32, #tpu.memory_space<vmem>>
      %dma_wait3A_80 = tpu.memref_squeeze %dma_wait3A_79 : memref<1x128xi32, #tpu.memory_space<vmem>> -> memref<128xi32, #tpu.memory_space<vmem>>
      %dma_wait3A_81 = arith.constant 0 : i32
      %dma_wait3A_82 = arith.constant 0 : i32
      %dma_wait3A_83 = tpu.memref_slice %arg12[%dma_wait3A_81, %dma_wait3A_82] : memref<10112x144xf32, #tpu.memory_space<vmem_shared>> -> memref<10112x144xf32, #tpu.memory_space<vmem_shared>>
      tpu.wait_indirect_dma semaphore(%run_scoped3A_64 : memref<!tpu.dma_semaphore, #tpu.memory_space<semaphore_mem>>) src(%dma_wait3A_77 : memref<128x144xf32, #tpu.memory_space<vmem>>) dst(%dma_wait3A_83 : memref<10112x144xf32, #tpu.memory_space<vmem_shared>>)
      tpu.yield
    }) : () -> ()
    %barrier3A = arith.constant 0 : index
    tpu.barrier barrier_id(%barrier3A)
    "tpu.region"() ({
      %run_scoped3A_64 = tpu.sem_alloc : memref<!tpu.dma_semaphore, #tpu.memory_space<semaphore_mem>>
      %dma_start3A_65 = arith.constant 0 : i32
      %dma_start3A_66 = tpu.memref_slice %arg3[%multiple_of3A, %dma_start3A_65] : memref<5120x128xi32, #tpu.memory_space<hbm>> -> memref<4x128xi32, #tpu.memory_space<hbm>>
      %dma_start3A_67 = arith.constant 0 : i32
      %dma_start3A_68 = tpu.memref_slice %arg3[%multiple_of3A, %dma_start3A_67] : memref<5120x128xi32, #tpu.memory_space<hbm>> -> memref<4x128xi32, #tpu.memory_space<hbm>>
      tpu.enqueue_dma source(%dma_start3A_68 : memref<4x128xi32, #tpu.memory_space<hbm>>) target(%arg8 : memref<4x128xi32, #tpu.memory_space<vmem>>) target_semaphore(%run_scoped3A_64 : memref<!tpu.dma_semaphore, #tpu.memory_space<semaphore_mem>>)
      %dma_wait3A = arith.constant 0 : i32
      %dma_wait3A_69 = tpu.memref_slice %arg3[%multiple_of3A, %dma_wait3A] : memref<5120x128xi32, #tpu.memory_space<hbm>> -> memref<4x128xi32, #tpu.memory_space<hbm>>
      %dma_wait3A_70 = arith.constant 0 : i32
      %dma_wait3A_71 = tpu.memref_slice %arg3[%multiple_of3A, %dma_wait3A_70] : memref<5120x128xi32, #tpu.memory_space<hbm>> -> memref<4x128xi32, #tpu.memory_space<hbm>>
      tpu.wait_dma2 semaphore(%run_scoped3A_64 : memref<!tpu.dma_semaphore, #tpu.memory_space<semaphore_mem>>) src(%dma_wait3A_71 : memref<4x128xi32, #tpu.memory_space<hbm>>) dst(%arg8 : memref<4x128xi32, #tpu.memory_space<vmem>>)
      tpu.yield
    }) : () -> ()
    %dma_start3A = arith.constant 0 : i32
    %dma_start3A_22 = arith.constant 0 : i32
    %dma_start3A_23 = arith.constant 0 : i32
    %dma_start3A_24 = arith.constant 0 : i32
    %dma_start3A_25 = tpu.memref_slice %arg11[%dma_start3A_22, %dma_start3A_23, %dma_start3A_24] : memref<2x128x144xf32, #tpu.memory_space<vmem>> -> memref<1x128x144xf32, #tpu.memory_space<vmem>>
    %dma_start3A_26 = tpu.memref_squeeze %dma_start3A_25 : memref<1x128x144xf32, #tpu.memory_space<vmem>> -> memref<128x144xf32, #tpu.memory_space<vmem>>
    %dma_start3A_27 = arith.constant 0 : i32
    %dma_start3A_28 = tpu.memref_slice %arg8[%dma_start3A, %dma_start3A_27] : memref<4x128xi32, #tpu.memory_space<vmem>> -> memref<1x128xi32, #tpu.memory_space<vmem>>
    %dma_start3A_29 = tpu.memref_squeeze %dma_start3A_28 : memref<1x128xi32, #tpu.memory_space<vmem>> -> memref<128xi32, #tpu.memory_space<vmem>>
    %dma_start3A_30 = arith.constant 0 : i32
    %dma_start3A_31 = arith.constant 0 : i32
    %dma_start3A_32 = tpu.memref_slice %arg2[%dma_start3A_30, %dma_start3A_31] : memref<20000x144xf32, #tpu.memory_space<hbm>> -> memref<20000x144xf32, #tpu.memory_space<hbm>>
    tpu.enqueue_indirect_dma source(%dma_start3A_32 : memref<20000x144xf32, #tpu.memory_space<hbm>>) target(%dma_start3A_26 : memref<128x144xf32, #tpu.memory_space<vmem>>) offsets(%dma_start3A_29 : memref<128xi32, #tpu.memory_space<vmem>>) semaphore(%arg13 : memref<!tpu.dma_semaphore, #tpu.memory_space<semaphore_mem>>)
    %scan3A = arith.constant 0 : i32
    %scan3A_33 = arith.constant 0 : i32
    %scan3A_34 = arith.constant 40 : i32
    %scan3A_35 = arith.addi %scan3A_33, %scan3A_34 : i32
    %scan3A_36 = arith.constant 1 : i32
    scf.for %scan3A_64 = %scan3A_33 to %scan3A_35 step %scan3A_36  : i32 {
      %mul3A_65 = arith.constant 4 : i32
      %mul3A_66 = arith.muli %scan3A_64, %mul3A_65 : i32
      %add3A_67 = arith.addi %multiple_of3A, %mul3A_66 : i32
      %multiple_of3A_68 = tpu.assume_multiple %add3A_67, 4 : i32
      "tpu.region"() ({
        %run_scoped3A_164 = tpu.sem_alloc : memref<!tpu.dma_semaphore, #tpu.memory_space<semaphore_mem>>
        %dma_start3A_165 = arith.constant 0 : i32
        %dma_start3A_166 = tpu.memref_slice %arg4[%multiple_of3A_68, %dma_start3A_165] : memref<5120x128xi32, #tpu.memory_space<hbm>> -> memref<4x128xi32, #tpu.memory_space<hbm>>
        %dma_start3A_167 = arith.constant 0 : i32
        %dma_start3A_168 = tpu.memref_slice %arg4[%multiple_of3A_68, %dma_start3A_167] : memref<5120x128xi32, #tpu.memory_space<hbm>> -> memref<4x128xi32, #tpu.memory_space<hbm>>
        tpu.enqueue_dma source(%dma_start3A_168 : memref<4x128xi32, #tpu.memory_space<hbm>>) target(%arg9 : memref<4x128xi32, #tpu.memory_space<vmem>>) target_semaphore(%run_scoped3A_164 : memref<!tpu.dma_semaphore, #tpu.memory_space<semaphore_mem>>)
        %dma_wait3A_169 = arith.constant 0 : i32
        %dma_wait3A_170 = tpu.memref_slice %arg4[%multiple_of3A_68, %dma_wait3A_169] : memref<5120x128xi32, #tpu.memory_space<hbm>> -> memref<4x128xi32, #tpu.memory_space<hbm>>
        %dma_wait3A_171 = arith.constant 0 : i32
        %dma_wait3A_172 = tpu.memref_slice %arg4[%multiple_of3A_68, %dma_wait3A_171] : memref<5120x128xi32, #tpu.memory_space<hbm>> -> memref<4x128xi32, #tpu.memory_space<hbm>>
        tpu.wait_dma2 semaphore(%run_scoped3A_164 : memref<!tpu.dma_semaphore, #tpu.memory_space<semaphore_mem>>) src(%dma_wait3A_172 : memref<4x128xi32, #tpu.memory_space<hbm>>) dst(%arg9 : memref<4x128xi32, #tpu.memory_space<vmem>>)
        tpu.yield
      }) : () -> ()
      %dma_wait3A = arith.constant 0 : i32
      %dma_wait3A_69 = arith.constant 0 : i32
      %dma_wait3A_70 = arith.constant 0 : i32
      %dma_wait3A_71 = arith.constant 0 : i32
      %dma_wait3A_72 = tpu.memref_slice %arg11[%dma_wait3A_69, %dma_wait3A_70, %dma_wait3A_71] : memref<2x128x144xf32, #tpu.memory_space<vmem>> -> memref<1x128x144xf32, #tpu.memory_space<vmem>>
      %dma_wait3A_73 = tpu.memref_squeeze %dma_wait3A_72 : memref<1x128x144xf32, #tpu.memory_space<vmem>> -> memref<128x144xf32, #tpu.memory_space<vmem>>
      %dma_wait3A_74 = arith.constant 0 : i32
      %dma_wait3A_75 = tpu.memref_slice %arg8[%dma_wait3A, %dma_wait3A_74] : memref<4x128xi32, #tpu.memory_space<vmem>> -> memref<1x128xi32, #tpu.memory_space<vmem>>
      %dma_wait3A_76 = tpu.memref_squeeze %dma_wait3A_75 : memref<1x128xi32, #tpu.memory_space<vmem>> -> memref<128xi32, #tpu.memory_space<vmem>>
      %dma_wait3A_77 = arith.constant 0 : i32
      %dma_wait3A_78 = arith.constant 0 : i32
      %dma_wait3A_79 = tpu.memref_slice %arg2[%dma_wait3A_77, %dma_wait3A_78] : memref<20000x144xf32, #tpu.memory_space<hbm>> -> memref<20000x144xf32, #tpu.memory_space<hbm>>
      tpu.wait_indirect_dma semaphore(%arg13 : memref<!tpu.dma_semaphore, #tpu.memory_space<semaphore_mem>>) src(%dma_wait3A_79 : memref<20000x144xf32, #tpu.memory_space<hbm>>) dst(%dma_wait3A_73 : memref<128x144xf32, #tpu.memory_space<vmem>>)
      %dma_start3A_80 = arith.constant 1 : i32
      %dma_start3A_81 = arith.constant 1 : i32
      %dma_start3A_82 = arith.constant 0 : i32
      %dma_start3A_83 = arith.constant 0 : i32
      %dma_start3A_84 = tpu.memref_slice %arg11[%dma_start3A_81, %dma_start3A_82, %dma_start3A_83] : memref<2x128x144xf32, #tpu.memory_space<vmem>> -> memref<1x128x144xf32, #tpu.memory_space<vmem>>
      %dma_start3A_85 = tpu.memref_squeeze %dma_start3A_84 : memref<1x128x144xf32, #tpu.memory_space<vmem>> -> memref<128x144xf32, #tpu.memory_space<vmem>>
      %dma_start3A_86 = arith.constant 0 : i32
      %dma_start3A_87 = tpu.memref_slice %arg8[%dma_start3A_80, %dma_start3A_86] : memref<4x128xi32, #tpu.memory_space<vmem>> -> memref<1x128xi32, #tpu.memory_space<vmem>>
      %dma_start3A_88 = tpu.memref_squeeze %dma_start3A_87 : memref<1x128xi32, #tpu.memory_space<vmem>> -> memref<128xi32, #tpu.memory_space<vmem>>
      %dma_start3A_89 = arith.constant 0 : i32
      %dma_start3A_90 = arith.constant 0 : i32
      %dma_start3A_91 = tpu.memref_slice %arg2[%dma_start3A_89, %dma_start3A_90] : memref<20000x144xf32, #tpu.memory_space<hbm>> -> memref<20000x144xf32, #tpu.memory_space<hbm>>
      tpu.enqueue_indirect_dma source(%dma_start3A_91 : memref<20000x144xf32, #tpu.memory_space<hbm>>) target(%dma_start3A_85 : memref<128x144xf32, #tpu.memory_space<vmem>>) offsets(%dma_start3A_88 : memref<128xi32, #tpu.memory_space<vmem>>) semaphore(%arg13 : memref<!tpu.dma_semaphore, #tpu.memory_space<semaphore_mem>>)
      %run_scoped3A_92 = arith.constant 0 : i32
      %run_scoped3A_93 = arith.constant 0 : i32
      "tpu.region"() ({
        %run_scoped3A_164 = tpu.sem_alloc : memref<!tpu.dma_semaphore, #tpu.memory_space<semaphore_mem>>
        %dma_start3A_165 = arith.constant 0 : i32
        %dma_start3A_166 = arith.constant 0 : i32
        %dma_start3A_167 = tpu.memref_slice %arg11[%run_scoped3A_92, %dma_start3A_165, %dma_start3A_166] : memref<2x128x144xf32, #tpu.memory_space<vmem>> -> memref<1x128x144xf32, #tpu.memory_space<vmem>>
        %dma_start3A_168 = tpu.memref_squeeze %dma_start3A_167 : memref<1x128x144xf32, #tpu.memory_space<vmem>> -> memref<128x144xf32, #tpu.memory_space<vmem>>
        %dma_start3A_169 = arith.constant 0 : i32
        %dma_start3A_170 = tpu.memref_slice %arg9[%run_scoped3A_93, %dma_start3A_169] : memref<4x128xi32, #tpu.memory_space<vmem>> -> memref<1x128xi32, #tpu.memory_space<vmem>>
        %dma_start3A_171 = tpu.memref_squeeze %dma_start3A_170 : memref<1x128xi32, #tpu.memory_space<vmem>> -> memref<128xi32, #tpu.memory_space<vmem>>
        %dma_start3A_172 = arith.constant 0 : i32
        %dma_start3A_173 = arith.constant 0 : i32
        %dma_start3A_174 = tpu.memref_slice %arg12[%dma_start3A_172, %dma_start3A_173] : memref<10112x144xf32, #tpu.memory_space<vmem_shared>> -> memref<10112x144xf32, #tpu.memory_space<vmem_shared>>
        tpu.enqueue_indirect_dma source(%dma_start3A_168 : memref<128x144xf32, #tpu.memory_space<vmem>>) target(%dma_start3A_174 : memref<10112x144xf32, #tpu.memory_space<vmem_shared>>) offsets(%dma_start3A_171 : memref<128xi32, #tpu.memory_space<vmem>>) semaphore(%run_scoped3A_164 : memref<!tpu.dma_semaphore, #tpu.memory_space<semaphore_mem>>) {add = true}
        %dma_wait3A_175 = arith.constant 0 : i32
        %dma_wait3A_176 = arith.constant 0 : i32
        %dma_wait3A_177 = tpu.memref_slice %arg11[%run_scoped3A_92, %dma_wait3A_175, %dma_wait3A_176] : memref<2x128x144xf32, #tpu.memory_space<vmem>> -> memref<1x128x144xf32, #tpu.memory_space<vmem>>
        %dma_wait3A_178 = tpu.memref_squeeze %dma_wait3A_177 : memref<1x128x144xf32, #tpu.memory_space<vmem>> -> memref<128x144xf32, #tpu.memory_space<vmem>>
        %dma_wait3A_179 = arith.constant 0 : i32
        %dma_wait3A_180 = tpu.memref_slice %arg9[%run_scoped3A_93, %dma_wait3A_179] : memref<4x128xi32, #tpu.memory_space<vmem>> -> memref<1x128xi32, #tpu.memory_space<vmem>>
        %dma_wait3A_181 = tpu.memref_squeeze %dma_wait3A_180 : memref<1x128xi32, #tpu.memory_space<vmem>> -> memref<128xi32, #tpu.memory_space<vmem>>
        %dma_wait3A_182 = arith.constant 0 : i32
        %dma_wait3A_183 = arith.constant 0 : i32
        %dma_wait3A_184 = tpu.memref_slice %arg12[%dma_wait3A_182, %dma_wait3A_183] : memref<10112x144xf32, #tpu.memory_space<vmem_shared>> -> memref<10112x144xf32, #tpu.memory_space<vmem_shared>>
        tpu.wait_indirect_dma semaphore(%run_scoped3A_164 : memref<!tpu.dma_semaphore, #tpu.memory_space<semaphore_mem>>) src(%dma_wait3A_178 : memref<128x144xf32, #tpu.memory_space<vmem>>) dst(%dma_wait3A_184 : memref<10112x144xf32, #tpu.memory_space<vmem_shared>>)
        tpu.yield
      }) : () -> ()
      %dma_wait3A_94 = arith.constant 1 : i32
      %dma_wait3A_95 = arith.constant 1 : i32
      %dma_wait3A_96 = arith.constant 0 : i32
      %dma_wait3A_97 = arith.constant 0 : i32
      %dma_wait3A_98 = tpu.memref_slice %arg11[%dma_wait3A_95, %dma_wait3A_96, %dma_wait3A_97] : memref<2x128x144xf32, #tpu.memory_space<vmem>> -> memref<1x128x144xf32, #tpu.memory_space<vmem>>
      %dma_wait3A_99 = tpu.memref_squeeze %dma_wait3A_98 : memref<1x128x144xf32, #tpu.memory_space<vmem>> -> memref<128x144xf32, #tpu.memory_space<vmem>>
      %dma_wait3A_100 = arith.constant 0 : i32
      %dma_wait3A_101 = tpu.memref_slice %arg8[%dma_wait3A_94, %dma_wait3A_100] : memref<4x128xi32, #tpu.memory_space<vmem>> -> memref<1x128xi32, #tpu.memory_space<vmem>>
      %dma_wait3A_102 = tpu.memref_squeeze %dma_wait3A_101 : memref<1x128xi32, #tpu.memory_space<vmem>> -> memref<128xi32, #tpu.memory_space<vmem>>
      %dma_wait3A_103 = arith.constant 0 : i32
      %dma_wait3A_104 = arith.constant 0 : i32
      %dma_wait3A_105 = tpu.memref_slice %arg2[%dma_wait3A_103, %dma_wait3A_104] : memref<20000x144xf32, #tpu.memory_space<hbm>> -> memref<20000x144xf32, #tpu.memory_space<hbm>>
      tpu.wait_indirect_dma semaphore(%arg13 : memref<!tpu.dma_semaphore, #tpu.memory_space<semaphore_mem>>) src(%dma_wait3A_105 : memref<20000x144xf32, #tpu.memory_space<hbm>>) dst(%dma_wait3A_99 : memref<128x144xf32, #tpu.memory_space<vmem>>)
      %dma_start3A_106 = arith.constant 2 : i32
      %dma_start3A_107 = arith.constant 0 : i32
      %dma_start3A_108 = arith.constant 0 : i32
      %dma_start3A_109 = arith.constant 0 : i32
      %dma_start3A_110 = tpu.memref_slice %arg11[%dma_start3A_107, %dma_start3A_108, %dma_start3A_109] : memref<2x128x144xf32, #tpu.memory_space<vmem>> -> memref<1x128x144xf32, #tpu.memory_space<vmem>>
      %dma_start3A_111 = tpu.memref_squeeze %dma_start3A_110 : memref<1x128x144xf32, #tpu.memory_space<vmem>> -> memref<128x144xf32, #tpu.memory_space<vmem>>
      %dma_start3A_112 = arith.constant 0 : i32
      %dma_start3A_113 = tpu.memref_slice %arg8[%dma_start3A_106, %dma_start3A_112] : memref<4x128xi32, #tpu.memory_space<vmem>> -> memref<1x128xi32, #tpu.memory_space<vmem>>
      %dma_start3A_114 = tpu.memref_squeeze %dma_start3A_113 : memref<1x128xi32, #tpu.memory_space<vmem>> -> memref<128xi32, #tpu.memory_space<vmem>>
      %dma_start3A_115 = arith.constant 0 : i32
      %dma_start3A_116 = arith.constant 0 : i32
      %dma_start3A_117 = tpu.memref_slice %arg2[%dma_start3A_115, %dma_start3A_116] : memref<20000x144xf32, #tpu.memory_space<hbm>> -> memref<20000x144xf32, #tpu.memory_space<hbm>>
      tpu.enqueue_indirect_dma source(%dma_start3A_117 : memref<20000x144xf32, #tpu.memory_space<hbm>>) target(%dma_start3A_111 : memref<128x144xf32, #tpu.memory_space<vmem>>) offsets(%dma_start3A_114 : memref<128xi32, #tpu.memory_space<vmem>>) semaphore(%arg13 : memref<!tpu.dma_semaphore, #tpu.memory_space<semaphore_mem>>)
      %run_scoped3A_118 = arith.constant 1 : i32
      %run_scoped3A_119 = arith.constant 1 : i32
      "tpu.region"() ({
        %run_scoped3A_164 = tpu.sem_alloc : memref<!tpu.dma_semaphore, #tpu.memory_space<semaphore_mem>>
        %dma_start3A_165 = arith.constant 0 : i32
        %dma_start3A_166 = arith.constant 0 : i32
        %dma_start3A_167 = tpu.memref_slice %arg11[%run_scoped3A_118, %dma_start3A_165, %dma_start3A_166] : memref<2x128x144xf32, #tpu.memory_space<vmem>> -> memref<1x128x144xf32, #tpu.memory_space<vmem>>
        %dma_start3A_168 = tpu.memref_squeeze %dma_start3A_167 : memref<1x128x144xf32, #tpu.memory_space<vmem>> -> memref<128x144xf32, #tpu.memory_space<vmem>>
        %dma_start3A_169 = arith.constant 0 : i32
        %dma_start3A_170 = tpu.memref_slice %arg9[%run_scoped3A_119, %dma_start3A_169] : memref<4x128xi32, #tpu.memory_space<vmem>> -> memref<1x128xi32, #tpu.memory_space<vmem>>
        %dma_start3A_171 = tpu.memref_squeeze %dma_start3A_170 : memref<1x128xi32, #tpu.memory_space<vmem>> -> memref<128xi32, #tpu.memory_space<vmem>>
        %dma_start3A_172 = arith.constant 0 : i32
        %dma_start3A_173 = arith.constant 0 : i32
        %dma_start3A_174 = tpu.memref_slice %arg12[%dma_start3A_172, %dma_start3A_173] : memref<10112x144xf32, #tpu.memory_space<vmem_shared>> -> memref<10112x144xf32, #tpu.memory_space<vmem_shared>>
        tpu.enqueue_indirect_dma source(%dma_start3A_168 : memref<128x144xf32, #tpu.memory_space<vmem>>) target(%dma_start3A_174 : memref<10112x144xf32, #tpu.memory_space<vmem_shared>>) offsets(%dma_start3A_171 : memref<128xi32, #tpu.memory_space<vmem>>) semaphore(%run_scoped3A_164 : memref<!tpu.dma_semaphore, #tpu.memory_space<semaphore_mem>>) {add = true}
        %dma_wait3A_175 = arith.constant 0 : i32
        %dma_wait3A_176 = arith.constant 0 : i32
        %dma_wait3A_177 = tpu.memref_slice %arg11[%run_scoped3A_118, %dma_wait3A_175, %dma_wait3A_176] : memref<2x128x144xf32, #tpu.memory_space<vmem>> -> memref<1x128x144xf32, #tpu.memory_space<vmem>>
        %dma_wait3A_178 = tpu.memref_squeeze %dma_wait3A_177 : memref<1x128x144xf32, #tpu.memory_space<vmem>> -> memref<128x144xf32, #tpu.memory_space<vmem>>
        %dma_wait3A_179 = arith.constant 0 : i32
        %dma_wait3A_180 = tpu.memref_slice %arg9[%run_scoped3A_119, %dma_wait3A_179] : memref<4x128xi32, #tpu.memory_space<vmem>> -> memref<1x128xi32, #tpu.memory_space<vmem>>
        %dma_wait3A_181 = tpu.memref_squeeze %dma_wait3A_180 : memref<1x128xi32, #tpu.memory_space<vmem>> -> memref<128xi32, #tpu.memory_space<vmem>>
        %dma_wait3A_182 = arith.constant 0 : i32
        %dma_wait3A_183 = arith.constant 0 : i32
        %dma_wait3A_184 = tpu.memref_slice %arg12[%dma_wait3A_182, %dma_wait3A_183] : memref<10112x144xf32, #tpu.memory_space<vmem_shared>> -> memref<10112x144xf32, #tpu.memory_space<vmem_shared>>
        tpu.wait_indirect_dma semaphore(%run_scoped3A_164 : memref<!tpu.dma_semaphore, #tpu.memory_space<semaphore_mem>>) src(%dma_wait3A_178 : memref<128x144xf32, #tpu.memory_space<vmem>>) dst(%dma_wait3A_184 : memref<10112x144xf32, #tpu.memory_space<vmem_shared>>)
        tpu.yield
      }) : () -> ()
      %dma_wait3A_120 = arith.constant 2 : i32
      %dma_wait3A_121 = arith.constant 0 : i32
      %dma_wait3A_122 = arith.constant 0 : i32
      %dma_wait3A_123 = arith.constant 0 : i32
      %dma_wait3A_124 = tpu.memref_slice %arg11[%dma_wait3A_121, %dma_wait3A_122, %dma_wait3A_123] : memref<2x128x144xf32, #tpu.memory_space<vmem>> -> memref<1x128x144xf32, #tpu.memory_space<vmem>>
      %dma_wait3A_125 = tpu.memref_squeeze %dma_wait3A_124 : memref<1x128x144xf32, #tpu.memory_space<vmem>> -> memref<128x144xf32, #tpu.memory_space<vmem>>
      %dma_wait3A_126 = arith.constant 0 : i32
      %dma_wait3A_127 = tpu.memref_slice %arg8[%dma_wait3A_120, %dma_wait3A_126] : memref<4x128xi32, #tpu.memory_space<vmem>> -> memref<1x128xi32, #tpu.memory_space<vmem>>
      %dma_wait3A_128 = tpu.memref_squeeze %dma_wait3A_127 : memref<1x128xi32, #tpu.memory_space<vmem>> -> memref<128xi32, #tpu.memory_space<vmem>>
      %dma_wait3A_129 = arith.constant 0 : i32
      %dma_wait3A_130 = arith.constant 0 : i32
      %dma_wait3A_131 = tpu.memref_slice %arg2[%dma_wait3A_129, %dma_wait3A_130] : memref<20000x144xf32, #tpu.memory_space<hbm>> -> memref<20000x144xf32, #tpu.memory_space<hbm>>
      tpu.wait_indirect_dma semaphore(%arg13 : memref<!tpu.dma_semaphore, #tpu.memory_space<semaphore_mem>>) src(%dma_wait3A_131 : memref<20000x144xf32, #tpu.memory_space<hbm>>) dst(%dma_wait3A_125 : memref<128x144xf32, #tpu.memory_space<vmem>>)
      %dma_start3A_132 = arith.constant 3 : i32
      %dma_start3A_133 = arith.constant 1 : i32
      %dma_start3A_134 = arith.constant 0 : i32
      %dma_start3A_135 = arith.constant 0 : i32
      %dma_start3A_136 = tpu.memref_slice %arg11[%dma_start3A_133, %dma_start3A_134, %dma_start3A_135] : memref<2x128x144xf32, #tpu.memory_space<vmem>> -> memref<1x128x144xf32, #tpu.memory_space<vmem>>
      %dma_start3A_137 = tpu.memref_squeeze %dma_start3A_136 : memref<1x128x144xf32, #tpu.memory_space<vmem>> -> memref<128x144xf32, #tpu.memory_space<vmem>>
      %dma_start3A_138 = arith.constant 0 : i32
      %dma_start3A_139 = tpu.memref_slice %arg8[%dma_start3A_132, %dma_start3A_138] : memref<4x128xi32, #tpu.memory_space<vmem>> -> memref<1x128xi32, #tpu.memory_space<vmem>>
      %dma_start3A_140 = tpu.memref_squeeze %dma_start3A_139 : memref<1x128xi32, #tpu.memory_space<vmem>> -> memref<128xi32, #tpu.memory_space<vmem>>
      %dma_start3A_141 = arith.constant 0 : i32
      %dma_start3A_142 = arith.constant 0 : i32
      %dma_start3A_143 = tpu.memref_slice %arg2[%dma_start3A_141, %dma_start3A_142] : memref<20000x144xf32, #tpu.memory_space<hbm>> -> memref<20000x144xf32, #tpu.memory_space<hbm>>
      tpu.enqueue_indirect_dma source(%dma_start3A_143 : memref<20000x144xf32, #tpu.memory_space<hbm>>) target(%dma_start3A_137 : memref<128x144xf32, #tpu.memory_space<vmem>>) offsets(%dma_start3A_140 : memref<128xi32, #tpu.memory_space<vmem>>) semaphore(%arg13 : memref<!tpu.dma_semaphore, #tpu.memory_space<semaphore_mem>>)
      %run_scoped3A_144 = arith.constant 0 : i32
      %run_scoped3A_145 = arith.constant 2 : i32
      "tpu.region"() ({
        %run_scoped3A_164 = tpu.sem_alloc : memref<!tpu.dma_semaphore, #tpu.memory_space<semaphore_mem>>
        %dma_start3A_165 = arith.constant 0 : i32
        %dma_start3A_166 = arith.constant 0 : i32
        %dma_start3A_167 = tpu.memref_slice %arg11[%run_scoped3A_144, %dma_start3A_165, %dma_start3A_166] : memref<2x128x144xf32, #tpu.memory_space<vmem>> -> memref<1x128x144xf32, #tpu.memory_space<vmem>>
        %dma_start3A_168 = tpu.memref_squeeze %dma_start3A_167 : memref<1x128x144xf32, #tpu.memory_space<vmem>> -> memref<128x144xf32, #tpu.memory_space<vmem>>
        %dma_start3A_169 = arith.constant 0 : i32
        %dma_start3A_170 = tpu.memref_slice %arg9[%run_scoped3A_145, %dma_start3A_169] : memref<4x128xi32, #tpu.memory_space<vmem>> -> memref<1x128xi32, #tpu.memory_space<vmem>>
        %dma_start3A_171 = tpu.memref_squeeze %dma_start3A_170 : memref<1x128xi32, #tpu.memory_space<vmem>> -> memref<128xi32, #tpu.memory_space<vmem>>
        %dma_start3A_172 = arith.constant 0 : i32
        %dma_start3A_173 = arith.constant 0 : i32
        %dma_start3A_174 = tpu.memref_slice %arg12[%dma_start3A_172, %dma_start3A_173] : memref<10112x144xf32, #tpu.memory_space<vmem_shared>> -> memref<10112x144xf32, #tpu.memory_space<vmem_shared>>
        tpu.enqueue_indirect_dma source(%dma_start3A_168 : memref<128x144xf32, #tpu.memory_space<vmem>>) target(%dma_start3A_174 : memref<10112x144xf32, #tpu.memory_space<vmem_shared>>) offsets(%dma_start3A_171 : memref<128xi32, #tpu.memory_space<vmem>>) semaphore(%run_scoped3A_164 : memref<!tpu.dma_semaphore, #tpu.memory_space<semaphore_mem>>) {add = true}
        %dma_wait3A_175 = arith.constant 0 : i32
        %dma_wait3A_176 = arith.constant 0 : i32
        %dma_wait3A_177 = tpu.memref_slice %arg11[%run_scoped3A_144, %dma_wait3A_175, %dma_wait3A_176] : memref<2x128x144xf32, #tpu.memory_space<vmem>> -> memref<1x128x144xf32, #tpu.memory_space<vmem>>
        %dma_wait3A_178 = tpu.memref_squeeze %dma_wait3A_177 : memref<1x128x144xf32, #tpu.memory_space<vmem>> -> memref<128x144xf32, #tpu.memory_space<vmem>>
        %dma_wait3A_179 = arith.constant 0 : i32
        %dma_wait3A_180 = tpu.memref_slice %arg9[%run_scoped3A_145, %dma_wait3A_179] : memref<4x128xi32, #tpu.memory_space<vmem>> -> memref<1x128xi32, #tpu.memory_space<vmem>>
        %dma_wait3A_181 = tpu.memref_squeeze %dma_wait3A_180 : memref<1x128xi32, #tpu.memory_space<vmem>> -> memref<128xi32, #tpu.memory_space<vmem>>
        %dma_wait3A_182 = arith.constant 0 : i32
        %dma_wait3A_183 = arith.constant 0 : i32
        %dma_wait3A_184 = tpu.memref_slice %arg12[%dma_wait3A_182, %dma_wait3A_183] : memref<10112x144xf32, #tpu.memory_space<vmem_shared>> -> memref<10112x144xf32, #tpu.memory_space<vmem_shared>>
        tpu.wait_indirect_dma semaphore(%run_scoped3A_164 : memref<!tpu.dma_semaphore, #tpu.memory_space<semaphore_mem>>) src(%dma_wait3A_178 : memref<128x144xf32, #tpu.memory_space<vmem>>) dst(%dma_wait3A_184 : memref<10112x144xf32, #tpu.memory_space<vmem_shared>>)
        tpu.yield
      }) : () -> ()
      %dma_wait3A_146 = arith.constant 3 : i32
      %dma_wait3A_147 = arith.constant 1 : i32
      %dma_wait3A_148 = arith.constant 0 : i32
      %dma_wait3A_149 = arith.constant 0 : i32
      %dma_wait3A_150 = tpu.memref_slice %arg11[%dma_wait3A_147, %dma_wait3A_148, %dma_wait3A_149] : memref<2x128x144xf32, #tpu.memory_space<vmem>> -> memref<1x128x144xf32, #tpu.memory_space<vmem>>
      %dma_wait3A_151 = tpu.memref_squeeze %dma_wait3A_150 : memref<1x128x144xf32, #tpu.memory_space<vmem>> -> memref<128x144xf32, #tpu.memory_space<vmem>>
      %dma_wait3A_152 = arith.constant 0 : i32
      %dma_wait3A_153 = tpu.memref_slice %arg8[%dma_wait3A_146, %dma_wait3A_152] : memref<4x128xi32, #tpu.memory_space<vmem>> -> memref<1x128xi32, #tpu.memory_space<vmem>>
      %dma_wait3A_154 = tpu.memref_squeeze %dma_wait3A_153 : memref<1x128xi32, #tpu.memory_space<vmem>> -> memref<128xi32, #tpu.memory_space<vmem>>
      %dma_wait3A_155 = arith.constant 0 : i32
      %dma_wait3A_156 = arith.constant 0 : i32
      %dma_wait3A_157 = tpu.memref_slice %arg2[%dma_wait3A_155, %dma_wait3A_156] : memref<20000x144xf32, #tpu.memory_space<hbm>> -> memref<20000x144xf32, #tpu.memory_space<hbm>>
      tpu.wait_indirect_dma semaphore(%arg13 : memref<!tpu.dma_semaphore, #tpu.memory_space<semaphore_mem>>) src(%dma_wait3A_157 : memref<20000x144xf32, #tpu.memory_space<hbm>>) dst(%dma_wait3A_151 : memref<128x144xf32, #tpu.memory_space<vmem>>)
      %add3A_158 = arith.constant 1 : i32
      %add3A_159 = arith.addi %scan3A_64, %add3A_158 : i32
      %lt3A = arith.constant 40 : i32
      %lt3A_160 = arith.cmpi slt, %add3A_159, %lt3A : i32
      %convert_element_type3A = arith.extui %lt3A_160 : i1 to i32
      %cond3A = arith.constant 0 : i32
      %cond3A_161 = arith.cmpi ne, %convert_element_type3A, %cond3A : i32
      scf.if %cond3A_161 {
        %add3A_164 = arith.constant 4 : i32
        %add3A_165 = arith.addi %multiple_of3A_68, %add3A_164 : i32
        "tpu.region"() ({
          %run_scoped3A_178 = tpu.sem_alloc : memref<!tpu.dma_semaphore, #tpu.memory_space<semaphore_mem>>
          %dma_start3A_179 = arith.constant 0 : i32
          %dma_start3A_180 = tpu.memref_slice %arg3[%add3A_165, %dma_start3A_179] : memref<5120x128xi32, #tpu.memory_space<hbm>> -> memref<4x128xi32, #tpu.memory_space<hbm>>
          %dma_start3A_181 = arith.constant 0 : i32
          %dma_start3A_182 = tpu.memref_slice %arg3[%add3A_165, %dma_start3A_181] : memref<5120x128xi32, #tpu.memory_space<hbm>> -> memref<4x128xi32, #tpu.memory_space<hbm>>
          tpu.enqueue_dma source(%dma_start3A_182 : memref<4x128xi32, #tpu.memory_space<hbm>>) target(%arg8 : memref<4x128xi32, #tpu.memory_space<vmem>>) target_semaphore(%run_scoped3A_178 : memref<!tpu.dma_semaphore, #tpu.memory_space<semaphore_mem>>)
          %dma_wait3A_183 = arith.constant 0 : i32
          %dma_wait3A_184 = tpu.memref_slice %arg3[%add3A_165, %dma_wait3A_183] : memref<5120x128xi32, #tpu.memory_space<hbm>> -> memref<4x128xi32, #tpu.memory_space<hbm>>
          %dma_wait3A_185 = arith.constant 0 : i32
          %dma_wait3A_186 = tpu.memref_slice %arg3[%add3A_165, %dma_wait3A_185] : memref<5120x128xi32, #tpu.memory_space<hbm>> -> memref<4x128xi32, #tpu.memory_space<hbm>>
          tpu.wait_dma2 semaphore(%run_scoped3A_178 : memref<!tpu.dma_semaphore, #tpu.memory_space<semaphore_mem>>) src(%dma_wait3A_186 : memref<4x128xi32, #tpu.memory_space<hbm>>) dst(%arg8 : memref<4x128xi32, #tpu.memory_space<vmem>>)
          tpu.yield
        }) : () -> ()
        %dma_start3A_166 = arith.constant 0 : i32
        %dma_start3A_167 = arith.constant 0 : i32
        %dma_start3A_168 = arith.constant 0 : i32
        %dma_start3A_169 = arith.constant 0 : i32
        %dma_start3A_170 = tpu.memref_slice %arg11[%dma_start3A_167, %dma_start3A_168, %dma_start3A_169] : memref<2x128x144xf32, #tpu.memory_space<vmem>> -> memref<1x128x144xf32, #tpu.memory_space<vmem>>
        %dma_start3A_171 = tpu.memref_squeeze %dma_start3A_170 : memref<1x128x144xf32, #tpu.memory_space<vmem>> -> memref<128x144xf32, #tpu.memory_space<vmem>>
        %dma_start3A_172 = arith.constant 0 : i32
        %dma_start3A_173 = tpu.memref_slice %arg8[%dma_start3A_166, %dma_start3A_172] : memref<4x128xi32, #tpu.memory_space<vmem>> -> memref<1x128xi32, #tpu.memory_space<vmem>>
        %dma_start3A_174 = tpu.memref_squeeze %dma_start3A_173 : memref<1x128xi32, #tpu.memory_space<vmem>> -> memref<128xi32, #tpu.memory_space<vmem>>
        %dma_start3A_175 = arith.constant 0 : i32
        %dma_start3A_176 = arith.constant 0 : i32
        %dma_start3A_177 = tpu.memref_slice %arg2[%dma_start3A_175, %dma_start3A_176] : memref<20000x144xf32, #tpu.memory_space<hbm>> -> memref<20000x144xf32, #tpu.memory_space<hbm>>
        tpu.enqueue_indirect_dma source(%dma_start3A_177 : memref<20000x144xf32, #tpu.memory_space<hbm>>) target(%dma_start3A_171 : memref<128x144xf32, #tpu.memory_space<vmem>>) offsets(%dma_start3A_174 : memref<128xi32, #tpu.memory_space<vmem>>) semaphore(%arg13 : memref<!tpu.dma_semaphore, #tpu.memory_space<semaphore_mem>>)
      } else {
      }
      %run_scoped3A_162 = arith.constant 1 : i32
      %run_scoped3A_163 = arith.constant 3 : i32
      "tpu.region"() ({
        %run_scoped3A_164 = tpu.sem_alloc : memref<!tpu.dma_semaphore, #tpu.memory_space<semaphore_mem>>
        %dma_start3A_165 = arith.constant 0 : i32
        %dma_start3A_166 = arith.constant 0 : i32
        %dma_start3A_167 = tpu.memref_slice %arg11[%run_scoped3A_162, %dma_start3A_165, %dma_start3A_166] : memref<2x128x144xf32, #tpu.memory_space<vmem>> -> memref<1x128x144xf32, #tpu.memory_space<vmem>>
        %dma_start3A_168 = tpu.memref_squeeze %dma_start3A_167 : memref<1x128x144xf32, #tpu.memory_space<vmem>> -> memref<128x144xf32, #tpu.memory_space<vmem>>
        %dma_start3A_169 = arith.constant 0 : i32
        %dma_start3A_170 = tpu.memref_slice %arg9[%run_scoped3A_163, %dma_start3A_169] : memref<4x128xi32, #tpu.memory_space<vmem>> -> memref<1x128xi32, #tpu.memory_space<vmem>>
        %dma_start3A_171 = tpu.memref_squeeze %dma_start3A_170 : memref<1x128xi32, #tpu.memory_space<vmem>> -> memref<128xi32, #tpu.memory_space<vmem>>
        %dma_start3A_172 = arith.constant 0 : i32
        %dma_start3A_173 = arith.constant 0 : i32
        %dma_start3A_174 = tpu.memref_slice %arg12[%dma_start3A_172, %dma_start3A_173] : memref<10112x144xf32, #tpu.memory_space<vmem_shared>> -> memref<10112x144xf32, #tpu.memory_space<vmem_shared>>
        tpu.enqueue_indirect_dma source(%dma_start3A_168 : memref<128x144xf32, #tpu.memory_space<vmem>>) target(%dma_start3A_174 : memref<10112x144xf32, #tpu.memory_space<vmem_shared>>) offsets(%dma_start3A_171 : memref<128xi32, #tpu.memory_space<vmem>>) semaphore(%run_scoped3A_164 : memref<!tpu.dma_semaphore, #tpu.memory_space<semaphore_mem>>) {add = true}
        %dma_wait3A_175 = arith.constant 0 : i32
        %dma_wait3A_176 = arith.constant 0 : i32
        %dma_wait3A_177 = tpu.memref_slice %arg11[%run_scoped3A_162, %dma_wait3A_175, %dma_wait3A_176] : memref<2x128x144xf32, #tpu.memory_space<vmem>> -> memref<1x128x144xf32, #tpu.memory_space<vmem>>
        %dma_wait3A_178 = tpu.memref_squeeze %dma_wait3A_177 : memref<1x128x144xf32, #tpu.memory_space<vmem>> -> memref<128x144xf32, #tpu.memory_space<vmem>>
        %dma_wait3A_179 = arith.constant 0 : i32
        %dma_wait3A_180 = tpu.memref_slice %arg9[%run_scoped3A_163, %dma_wait3A_179] : memref<4x128xi32, #tpu.memory_space<vmem>> -> memref<1x128xi32, #tpu.memory_space<vmem>>
        %dma_wait3A_181 = tpu.memref_squeeze %dma_wait3A_180 : memref<1x128xi32, #tpu.memory_space<vmem>> -> memref<128xi32, #tpu.memory_space<vmem>>
        %dma_wait3A_182 = arith.constant 0 : i32
        %dma_wait3A_183 = arith.constant 0 : i32
        %dma_wait3A_184 = tpu.memref_slice %arg12[%dma_wait3A_182, %dma_wait3A_183] : memref<10112x144xf32, #tpu.memory_space<vmem_shared>> -> memref<10112x144xf32, #tpu.memory_space<vmem_shared>>
        tpu.wait_indirect_dma semaphore(%run_scoped3A_164 : memref<!tpu.dma_semaphore, #tpu.memory_space<semaphore_mem>>) src(%dma_wait3A_178 : memref<128x144xf32, #tpu.memory_space<vmem>>) dst(%dma_wait3A_184 : memref<10112x144xf32, #tpu.memory_space<vmem_shared>>)
        tpu.yield
      }) : () -> ()
    }
    %scan3A_37 = arith.constant 40 : i32
    %barrier3A_38 = arith.constant 0 : index
    tpu.barrier barrier_id(%barrier3A_38)
    %run_scoped3A_39 = arith.constant 0 : i32
    %run_scoped3A_40 = arith.constant 0 : i32
    "tpu.region"() ({
      %run_scoped3A_64 = tpu.sem_alloc : memref<!tpu.dma_semaphore, #tpu.memory_space<semaphore_mem>>
      %dma_start3A_65 = arith.constant 0 : i32
      %dma_start3A_66 = arith.constant 0 : i32
      %dma_start3A_67 = tpu.memref_slice %arg11[%run_scoped3A_40, %dma_start3A_65, %dma_start3A_66] : memref<2x128x144xf32, #tpu.memory_space<vmem>> -> memref<1x128x144xf32, #tpu.memory_space<vmem>>
      %dma_start3A_68 = tpu.memref_squeeze %dma_start3A_67 : memref<1x128x144xf32, #tpu.memory_space<vmem>> -> memref<128x144xf32, #tpu.memory_space<vmem>>
      %dma_start3A_69 = arith.constant 0 : i32
      %dma_start3A_70 = tpu.memref_slice %arg10[%run_scoped3A_39, %dma_start3A_69] : memref<8x128xi32, #tpu.memory_space<vmem>> -> memref<1x128xi32, #tpu.memory_space<vmem>>
      %dma_start3A_71 = tpu.memref_squeeze %dma_start3A_70 : memref<1x128xi32, #tpu.memory_space<vmem>> -> memref<128xi32, #tpu.memory_space<vmem>>
      %dma_start3A_72 = arith.constant 0 : i32
      %dma_start3A_73 = arith.constant 0 : i32
      %dma_start3A_74 = tpu.memref_slice %arg12[%dma_start3A_72, %dma_start3A_73] : memref<10112x144xf32, #tpu.memory_space<vmem_shared>> -> memref<10112x144xf32, #tpu.memory_space<vmem_shared>>
      tpu.enqueue_indirect_dma source(%dma_start3A_74 : memref<10112x144xf32, #tpu.memory_space<vmem_shared>>) target(%dma_start3A_68 : memref<128x144xf32, #tpu.memory_space<vmem>>) offsets(%dma_start3A_71 : memref<128xi32, #tpu.memory_space<vmem>>) semaphore(%run_scoped3A_64 : memref<!tpu.dma_semaphore, #tpu.memory_space<semaphore_mem>>)
      %dma_wait3A = arith.constant 0 : i32
      %dma_wait3A_75 = arith.constant 0 : i32
      %dma_wait3A_76 = tpu.memref_slice %arg11[%run_scoped3A_40, %dma_wait3A, %dma_wait3A_75] : memref<2x128x144xf32, #tpu.memory_space<vmem>> -> memref<1x128x144xf32, #tpu.memory_space<vmem>>
      %dma_wait3A_77 = tpu.memref_squeeze %dma_wait3A_76 : memref<1x128x144xf32, #tpu.memory_space<vmem>> -> memref<128x144xf32, #tpu.memory_space<vmem>>
      %dma_wait3A_78 = arith.constant 0 : i32
      %dma_wait3A_79 = tpu.memref_slice %arg10[%run_scoped3A_39, %dma_wait3A_78] : memref<8x128xi32, #tpu.memory_space<vmem>> -> memref<1x128xi32, #tpu.memory_space<vmem>>
      %dma_wait3A_80 = tpu.memref_squeeze %dma_wait3A_79 : memref<1x128xi32, #tpu.memory_space<vmem>> -> memref<128xi32, #tpu.memory_space<vmem>>
      %dma_wait3A_81 = arith.constant 0 : i32
      %dma_wait3A_82 = arith.constant 0 : i32
      %dma_wait3A_83 = tpu.memref_slice %arg12[%dma_wait3A_81, %dma_wait3A_82] : memref<10112x144xf32, #tpu.memory_space<vmem_shared>> -> memref<10112x144xf32, #tpu.memory_space<vmem_shared>>
      tpu.wait_indirect_dma semaphore(%run_scoped3A_64 : memref<!tpu.dma_semaphore, #tpu.memory_space<semaphore_mem>>) src(%dma_wait3A_83 : memref<10112x144xf32, #tpu.memory_space<vmem_shared>>) dst(%dma_wait3A_77 : memref<128x144xf32, #tpu.memory_space<vmem>>)
      tpu.yield
    }) : () -> ()
    %add3A_41 = arith.constant 0 : i32
    %add3A_42 = arith.addi %multiple_of3A_8, %add3A_41 : i32
    %run_scoped3A_43 = arith.constant 0 : i32
    "tpu.region"() ({
      %run_scoped3A_64 = tpu.sem_alloc : memref<!tpu.dma_semaphore, #tpu.memory_space<semaphore_mem>>
      %dma_start3A_65 = arith.constant 0 : i32
      %dma_start3A_66 = arith.constant 0 : i32
      %dma_start3A_67 = tpu.memref_slice %arg11[%run_scoped3A_43, %dma_start3A_65, %dma_start3A_66] : memref<2x128x144xf32, #tpu.memory_space<vmem>> -> memref<1x128x144xf32, #tpu.memory_space<vmem>>
      %dma_start3A_68 = tpu.memref_squeeze %dma_start3A_67 : memref<1x128x144xf32, #tpu.memory_space<vmem>> -> memref<128x144xf32, #tpu.memory_space<vmem>>
      %dma_start3A_69 = arith.constant 0 : i32
      %dma_start3A_70 = arith.constant 0 : i32
      %dma_start3A_71 = tpu.memref_slice %dma_start3A_68[%dma_start3A_69, %dma_start3A_70] : memref<128x144xf32, #tpu.memory_space<vmem>> -> memref<128x144xf32, #tpu.memory_space<vmem>>
      %dma_start3A_72 = arith.constant 0 : i32
      %dma_start3A_73 = tpu.memref_slice %arg7[%add3A_42, %dma_start3A_72] : memref<20224x144xf32, #tpu.memory_space<hbm>> -> memref<128x144xf32, #tpu.memory_space<hbm>>
      %dma_start3A_74 = arith.constant 0 : i32
      %dma_start3A_75 = tpu.memref_slice %arg7[%add3A_42, %dma_start3A_74] : memref<20224x144xf32, #tpu.memory_space<hbm>> -> memref<128x144xf32, #tpu.memory_space<hbm>>
      %dma_start3A_76 = arith.constant 0 : i32
      %dma_start3A_77 = arith.constant 0 : i32
      %dma_start3A_78 = tpu.memref_slice %arg11[%run_scoped3A_43, %dma_start3A_76, %dma_start3A_77] : memref<2x128x144xf32, #tpu.memory_space<vmem>> -> memref<1x128x144xf32, #tpu.memory_space<vmem>>
      %dma_start3A_79 = tpu.memref_squeeze %dma_start3A_78 : memref<1x128x144xf32, #tpu.memory_space<vmem>> -> memref<128x144xf32, #tpu.memory_space<vmem>>
      %dma_start3A_80 = arith.constant 0 : i32
      %dma_start3A_81 = arith.constant 0 : i32
      %dma_start3A_82 = tpu.memref_slice %dma_start3A_79[%dma_start3A_80, %dma_start3A_81] : memref<128x144xf32, #tpu.memory_space<vmem>> -> memref<128x144xf32, #tpu.memory_space<vmem>>
      tpu.enqueue_dma source(%dma_start3A_82 : memref<128x144xf32, #tpu.memory_space<vmem>>) target(%dma_start3A_75 : memref<128x144xf32, #tpu.memory_space<hbm>>) target_semaphore(%run_scoped3A_64 : memref<!tpu.dma_semaphore, #tpu.memory_space<semaphore_mem>>)
      %dma_wait3A = arith.constant 0 : i32
      %dma_wait3A_83 = arith.constant 0 : i32
      %dma_wait3A_84 = tpu.memref_slice %arg11[%run_scoped3A_43, %dma_wait3A, %dma_wait3A_83] : memref<2x128x144xf32, #tpu.memory_space<vmem>> -> memref<1x128x144xf32, #tpu.memory_space<vmem>>
      %dma_wait3A_85 = tpu.memref_squeeze %dma_wait3A_84 : memref<1x128x144xf32, #tpu.memory_space<vmem>> -> memref<128x144xf32, #tpu.memory_space<vmem>>
      %dma_wait3A_86 = arith.constant 0 : i32
      %dma_wait3A_87 = arith.constant 0 : i32
      %dma_wait3A_88 = tpu.memref_slice %dma_wait3A_85[%dma_wait3A_86, %dma_wait3A_87] : memref<128x144xf32, #tpu.memory_space<vmem>> -> memref<128x144xf32, #tpu.memory_space<vmem>>
      %dma_wait3A_89 = arith.constant 0 : i32
      %dma_wait3A_90 = tpu.memref_slice %arg7[%add3A_42, %dma_wait3A_89] : memref<20224x144xf32, #tpu.memory_space<hbm>> -> memref<128x144xf32, #tpu.memory_space<hbm>>
      %dma_wait3A_91 = arith.constant 0 : i32
      %dma_wait3A_92 = tpu.memref_slice %arg7[%add3A_42, %dma_wait3A_91] : memref<20224x144xf32, #tpu.memory_space<hbm>> -> memref<128x144xf32, #tpu.memory_space<hbm>>
      %dma_wait3A_93 = arith.constant 0 : i32
      %dma_wait3A_94 = arith.constant 0 : i32
      %dma_wait3A_95 = tpu.memref_slice %arg11[%run_scoped3A_43, %dma_wait3A_93, %dma_wait3A_94] : memref<2x128x144xf32, #tpu.memory_space<vmem>> -> memref<1x128x144xf32, #tpu.memory_space<vmem>>
      %dma_wait3A_96 = tpu.memref_squeeze %dma_wait3A_95 : memref<1x128x144xf32, #tpu.memory_space<vmem>> -> memref<128x144xf32, #tpu.memory_space<vmem>>
      %dma_wait3A_97 = arith.constant 0 : i32
      %dma_wait3A_98 = arith.constant 0 : i32
      %dma_wait3A_99 = tpu.memref_slice %dma_wait3A_96[%dma_wait3A_97, %dma_wait3A_98] : memref<128x144xf32, #tpu.memory_space<vmem>> -> memref<128x144xf32, #tpu.memory_space<vmem>>
      tpu.wait_dma2 semaphore(%run_scoped3A_64 : memref<!tpu.dma_semaphore, #tpu.memory_space<semaphore_mem>>) src(%dma_wait3A_99 : memref<128x144xf32, #tpu.memory_space<vmem>>) dst(%dma_wait3A_92 : memref<128x144xf32, #tpu.memory_space<hbm>>)
      tpu.yield
    }) : () -> ()
    %run_scoped3A_44 = arith.constant 1 : i32
    %run_scoped3A_45 = arith.constant 0 : i32
    "tpu.region"() ({
      %run_scoped3A_64 = tpu.sem_alloc : memref<!tpu.dma_semaphore, #tpu.memory_space<semaphore_mem>>
      %dma_start3A_65 = arith.constant 0 : i32
      %dma_start3A_66 = arith.constant 0 : i32
      %dma_start3A_67 = tpu.memref_slice %arg11[%run_scoped3A_45, %dma_start3A_65, %dma_start3A_66] : memref<2x128x144xf32, #tpu.memory_space<vmem>> -> memref<1x128x144xf32, #tpu.memory_space<vmem>>
      %dma_start3A_68 = tpu.memref_squeeze %dma_start3A_67 : memref<1x128x144xf32, #tpu.memory_space<vmem>> -> memref<128x144xf32, #tpu.memory_space<vmem>>
      %dma_start3A_69 = arith.constant 0 : i32
      %dma_start3A_70 = tpu.memref_slice %arg10[%run_scoped3A_44, %dma_start3A_69] : memref<8x128xi32, #tpu.memory_space<vmem>> -> memref<1x128xi32, #tpu.memory_space<vmem>>
      %dma_start3A_71 = tpu.memref_squeeze %dma_start3A_70 : memref<1x128xi32, #tpu.memory_space<vmem>> -> memref<128xi32, #tpu.memory_space<vmem>>
      %dma_start3A_72 = arith.constant 0 : i32
      %dma_start3A_73 = arith.constant 0 : i32
      %dma_start3A_74 = tpu.memref_slice %arg12[%dma_start3A_72, %dma_start3A_73] : memref<10112x144xf32, #tpu.memory_space<vmem_shared>> -> memref<10112x144xf32, #tpu.memory_space<vmem_shared>>
      tpu.enqueue_indirect_dma source(%dma_start3A_74 : memref<10112x144xf32, #tpu.memory_space<vmem_shared>>) target(%dma_start3A_68 : memref<128x144xf32, #tpu.memory_space<vmem>>) offsets(%dma_start3A_71 : memref<128xi32, #tpu.memory_space<vmem>>) semaphore(%run_scoped3A_64 : memref<!tpu.dma_semaphore, #tpu.memory_space<semaphore_mem>>)
      %dma_wait3A = arith.constant 0 : i32
      %dma_wait3A_75 = arith.constant 0 : i32
      %dma_wait3A_76 = tpu.memref_slice %arg11[%run_scoped3A_45, %dma_wait3A, %dma_wait3A_75] : memref<2x128x144xf32, #tpu.memory_space<vmem>> -> memref<1x128x144xf32, #tpu.memory_space<vmem>>
      %dma_wait3A_77 = tpu.memref_squeeze %dma_wait3A_76 : memref<1x128x144xf32, #tpu.memory_space<vmem>> -> memref<128x144xf32, #tpu.memory_space<vmem>>
      %dma_wait3A_78 = arith.constant 0 : i32
      %dma_wait3A_79 = tpu.memref_slice %arg10[%run_scoped3A_44, %dma_wait3A_78] : memref<8x128xi32, #tpu.memory_space<vmem>> -> memref<1x128xi32, #tpu.memory_space<vmem>>
      %dma_wait3A_80 = tpu.memref_squeeze %dma_wait3A_79 : memref<1x128xi32, #tpu.memory_space<vmem>> -> memref<128xi32, #tpu.memory_space<vmem>>
      %dma_wait3A_81 = arith.constant 0 : i32
      %dma_wait3A_82 = arith.constant 0 : i32
      %dma_wait3A_83 = tpu.memref_slice %arg12[%dma_wait3A_81, %dma_wait3A_82] : memref<10112x144xf32, #tpu.memory_space<vmem_shared>> -> memref<10112x144xf32, #tpu.memory_space<vmem_shared>>
      tpu.wait_indirect_dma semaphore(%run_scoped3A_64 : memref<!tpu.dma_semaphore, #tpu.memory_space<semaphore_mem>>) src(%dma_wait3A_83 : memref<10112x144xf32, #tpu.memory_space<vmem_shared>>) dst(%dma_wait3A_77 : memref<128x144xf32, #tpu.memory_space<vmem>>)
      tpu.yield
    }) : () -> ()
    %add3A_46 = arith.constant 128 : i32
    %add3A_47 = arith.addi %multiple_of3A_8, %add3A_46 : i32
    %run_scoped3A_48 = arith.constant 0 : i32
    "tpu.region"() ({
      %run_scoped3A_64 = tpu.sem_alloc : memref<!tpu.dma_semaphore, #tpu.memory_space<semaphore_mem>>
      %dma_start3A_65 = arith.constant 0 : i32
      %dma_start3A_66 = arith.constant 0 : i32
      %dma_start3A_67 = tpu.memref_slice %arg11[%run_scoped3A_48, %dma_start3A_65, %dma_start3A_66] : memref<2x128x144xf32, #tpu.memory_space<vmem>> -> memref<1x128x144xf32, #tpu.memory_space<vmem>>
      %dma_start3A_68 = tpu.memref_squeeze %dma_start3A_67 : memref<1x128x144xf32, #tpu.memory_space<vmem>> -> memref<128x144xf32, #tpu.memory_space<vmem>>
      %dma_start3A_69 = arith.constant 0 : i32
      %dma_start3A_70 = arith.constant 0 : i32
      %dma_start3A_71 = tpu.memref_slice %dma_start3A_68[%dma_start3A_69, %dma_start3A_70] : memref<128x144xf32, #tpu.memory_space<vmem>> -> memref<128x144xf32, #tpu.memory_space<vmem>>
      %dma_start3A_72 = arith.constant 0 : i32
      %dma_start3A_73 = tpu.memref_slice %arg7[%add3A_47, %dma_start3A_72] : memref<20224x144xf32, #tpu.memory_space<hbm>> -> memref<128x144xf32, #tpu.memory_space<hbm>>
      %dma_start3A_74 = arith.constant 0 : i32
      %dma_start3A_75 = tpu.memref_slice %arg7[%add3A_47, %dma_start3A_74] : memref<20224x144xf32, #tpu.memory_space<hbm>> -> memref<128x144xf32, #tpu.memory_space<hbm>>
      %dma_start3A_76 = arith.constant 0 : i32
      %dma_start3A_77 = arith.constant 0 : i32
      %dma_start3A_78 = tpu.memref_slice %arg11[%run_scoped3A_48, %dma_start3A_76, %dma_start3A_77] : memref<2x128x144xf32, #tpu.memory_space<vmem>> -> memref<1x128x144xf32, #tpu.memory_space<vmem>>
      %dma_start3A_79 = tpu.memref_squeeze %dma_start3A_78 : memref<1x128x144xf32, #tpu.memory_space<vmem>> -> memref<128x144xf32, #tpu.memory_space<vmem>>
      %dma_start3A_80 = arith.constant 0 : i32
      %dma_start3A_81 = arith.constant 0 : i32
      %dma_start3A_82 = tpu.memref_slice %dma_start3A_79[%dma_start3A_80, %dma_start3A_81] : memref<128x144xf32, #tpu.memory_space<vmem>> -> memref<128x144xf32, #tpu.memory_space<vmem>>
      tpu.enqueue_dma source(%dma_start3A_82 : memref<128x144xf32, #tpu.memory_space<vmem>>) target(%dma_start3A_75 : memref<128x144xf32, #tpu.memory_space<hbm>>) target_semaphore(%run_scoped3A_64 : memref<!tpu.dma_semaphore, #tpu.memory_space<semaphore_mem>>)
      %dma_wait3A = arith.constant 0 : i32
      %dma_wait3A_83 = arith.constant 0 : i32
      %dma_wait3A_84 = tpu.memref_slice %arg11[%run_scoped3A_48, %dma_wait3A, %dma_wait3A_83] : memref<2x128x144xf32, #tpu.memory_space<vmem>> -> memref<1x128x144xf32, #tpu.memory_space<vmem>>
      %dma_wait3A_85 = tpu.memref_squeeze %dma_wait3A_84 : memref<1x128x144xf32, #tpu.memory_space<vmem>> -> memref<128x144xf32, #tpu.memory_space<vmem>>
      %dma_wait3A_86 = arith.constant 0 : i32
      %dma_wait3A_87 = arith.constant 0 : i32
      %dma_wait3A_88 = tpu.memref_slice %dma_wait3A_85[%dma_wait3A_86, %dma_wait3A_87] : memref<128x144xf32, #tpu.memory_space<vmem>> -> memref<128x144xf32, #tpu.memory_space<vmem>>
      %dma_wait3A_89 = arith.constant 0 : i32
      %dma_wait3A_90 = tpu.memref_slice %arg7[%add3A_47, %dma_wait3A_89] : memref<20224x144xf32, #tpu.memory_space<hbm>> -> memref<128x144xf32, #tpu.memory_space<hbm>>
      %dma_wait3A_91 = arith.constant 0 : i32
      %dma_wait3A_92 = tpu.memref_slice %arg7[%add3A_47, %dma_wait3A_91] : memref<20224x144xf32, #tpu.memory_space<hbm>> -> memref<128x144xf32, #tpu.memory_space<hbm>>
      %dma_wait3A_93 = arith.constant 0 : i32
      %dma_wait3A_94 = arith.constant 0 : i32
      %dma_wait3A_95 = tpu.memref_slice %arg11[%run_scoped3A_48, %dma_wait3A_93, %dma_wait3A_94] : memref<2x128x144xf32, #tpu.memory_space<vmem>> -> memref<1x128x144xf32, #tpu.memory_space<vmem>>
      %dma_wait3A_96 = tpu.memref_squeeze %dma_wait3A_95 : memref<1x128x144xf32, #tpu.memory_space<vmem>> -> memref<128x144xf32, #tpu.memory_space<vmem>>
      %dma_wait3A_97 = arith.constant 0 : i32
      %dma_wait3A_98 = arith.constant 0 : i32
      %dma_wait3A_99 = tpu.memref_slice %dma_wait3A_96[%dma_wait3A_97, %dma_wait3A_98] : memref<128x144xf32, #tpu.memory_space<vmem>> -> memref<128x144xf32, #tpu.memory_space<vmem>>
      tpu.wait_dma2 semaphore(%run_scoped3A_64 : memref<!tpu.dma_semaphore, #tpu.memory_space<semaphore_mem>>) src(%dma_wait3A_99 : memref<128x144xf32, #tpu.memory_space<vmem>>) dst(%dma_wait3A_92 : memref<128x144xf32, #tpu.memory_space<hbm>>)
      tpu.yield
    }) : () -> ()
    %run_scoped3A_49 = arith.constant 2 : i32
    %run_scoped3A_50 = arith.constant 0 : i32
    "tpu.region"() ({
      %run_scoped3A_64 = tpu.sem_alloc : memref<!tpu.dma_semaphore, #tpu.memory_space<semaphore_mem>>
      %dma_start3A_65 = arith.constant 0 : i32
      %dma_start3A_66 = arith.constant 0 : i32
      %dma_start3A_67 = tpu.memref_slice %arg11[%run_scoped3A_50, %dma_start3A_65, %dma_start3A_66] : memref<2x128x144xf32, #tpu.memory_space<vmem>> -> memref<1x128x144xf32, #tpu.memory_space<vmem>>
      %dma_start3A_68 = tpu.memref_squeeze %dma_start3A_67 : memref<1x128x144xf32, #tpu.memory_space<vmem>> -> memref<128x144xf32, #tpu.memory_space<vmem>>
      %dma_start3A_69 = arith.constant 0 : i32
      %dma_start3A_70 = tpu.memref_slice %arg10[%run_scoped3A_49, %dma_start3A_69] : memref<8x128xi32, #tpu.memory_space<vmem>> -> memref<1x128xi32, #tpu.memory_space<vmem>>
      %dma_start3A_71 = tpu.memref_squeeze %dma_start3A_70 : memref<1x128xi32, #tpu.memory_space<vmem>> -> memref<128xi32, #tpu.memory_space<vmem>>
      %dma_start3A_72 = arith.constant 0 : i32
      %dma_start3A_73 = arith.constant 0 : i32
      %dma_start3A_74 = tpu.memref_slice %arg12[%dma_start3A_72, %dma_start3A_73] : memref<10112x144xf32, #tpu.memory_space<vmem_shared>> -> memref<10112x144xf32, #tpu.memory_space<vmem_shared>>
      tpu.enqueue_indirect_dma source(%dma_start3A_74 : memref<10112x144xf32, #tpu.memory_space<vmem_shared>>) target(%dma_start3A_68 : memref<128x144xf32, #tpu.memory_space<vmem>>) offsets(%dma_start3A_71 : memref<128xi32, #tpu.memory_space<vmem>>) semaphore(%run_scoped3A_64 : memref<!tpu.dma_semaphore, #tpu.memory_space<semaphore_mem>>)
      %dma_wait3A = arith.constant 0 : i32
      %dma_wait3A_75 = arith.constant 0 : i32
      %dma_wait3A_76 = tpu.memref_slice %arg11[%run_scoped3A_50, %dma_wait3A, %dma_wait3A_75] : memref<2x128x144xf32, #tpu.memory_space<vmem>> -> memref<1x128x144xf32, #tpu.memory_space<vmem>>
      %dma_wait3A_77 = tpu.memref_squeeze %dma_wait3A_76 : memref<1x128x144xf32, #tpu.memory_space<vmem>> -> memref<128x144xf32, #tpu.memory_space<vmem>>
      %dma_wait3A_78 = arith.constant 0 : i32
      %dma_wait3A_79 = tpu.memref_slice %arg10[%run_scoped3A_49, %dma_wait3A_78] : memref<8x128xi32, #tpu.memory_space<vmem>> -> memref<1x128xi32, #tpu.memory_space<vmem>>
      %dma_wait3A_80 = tpu.memref_squeeze %dma_wait3A_79 : memref<1x128xi32, #tpu.memory_space<vmem>> -> memref<128xi32, #tpu.memory_space<vmem>>
      %dma_wait3A_81 = arith.constant 0 : i32
      %dma_wait3A_82 = arith.constant 0 : i32
      %dma_wait3A_83 = tpu.memref_slice %arg12[%dma_wait3A_81, %dma_wait3A_82] : memref<10112x144xf32, #tpu.memory_space<vmem_shared>> -> memref<10112x144xf32, #tpu.memory_space<vmem_shared>>
      tpu.wait_indirect_dma semaphore(%run_scoped3A_64 : memref<!tpu.dma_semaphore, #tpu.memory_space<semaphore_mem>>) src(%dma_wait3A_83 : memref<10112x144xf32, #tpu.memory_space<vmem_shared>>) dst(%dma_wait3A_77 : memref<128x144xf32, #tpu.memory_space<vmem>>)
      tpu.yield
    }) : () -> ()
    %add3A_51 = arith.constant 256 : i32
    %add3A_52 = arith.addi %multiple_of3A_8, %add3A_51 : i32
    %run_scoped3A_53 = arith.constant 0 : i32
    "tpu.region"() ({
      %run_scoped3A_64 = tpu.sem_alloc : memref<!tpu.dma_semaphore, #tpu.memory_space<semaphore_mem>>
      %dma_start3A_65 = arith.constant 0 : i32
      %dma_start3A_66 = arith.constant 0 : i32
      %dma_start3A_67 = tpu.memref_slice %arg11[%run_scoped3A_53, %dma_start3A_65, %dma_start3A_66] : memref<2x128x144xf32, #tpu.memory_space<vmem>> -> memref<1x128x144xf32, #tpu.memory_space<vmem>>
      %dma_start3A_68 = tpu.memref_squeeze %dma_start3A_67 : memref<1x128x144xf32, #tpu.memory_space<vmem>> -> memref<128x144xf32, #tpu.memory_space<vmem>>
      %dma_start3A_69 = arith.constant 0 : i32
      %dma_start3A_70 = arith.constant 0 : i32
      %dma_start3A_71 = tpu.memref_slice %dma_start3A_68[%dma_start3A_69, %dma_start3A_70] : memref<128x144xf32, #tpu.memory_space<vmem>> -> memref<128x144xf32, #tpu.memory_space<vmem>>
      %dma_start3A_72 = arith.constant 0 : i32
      %dma_start3A_73 = tpu.memref_slice %arg7[%add3A_52, %dma_start3A_72] : memref<20224x144xf32, #tpu.memory_space<hbm>> -> memref<128x144xf32, #tpu.memory_space<hbm>>
      %dma_start3A_74 = arith.constant 0 : i32
      %dma_start3A_75 = tpu.memref_slice %arg7[%add3A_52, %dma_start3A_74] : memref<20224x144xf32, #tpu.memory_space<hbm>> -> memref<128x144xf32, #tpu.memory_space<hbm>>
      %dma_start3A_76 = arith.constant 0 : i32
      %dma_start3A_77 = arith.constant 0 : i32
      %dma_start3A_78 = tpu.memref_slice %arg11[%run_scoped3A_53, %dma_start3A_76, %dma_start3A_77] : memref<2x128x144xf32, #tpu.memory_space<vmem>> -> memref<1x128x144xf32, #tpu.memory_space<vmem>>
      %dma_start3A_79 = tpu.memref_squeeze %dma_start3A_78 : memref<1x128x144xf32, #tpu.memory_space<vmem>> -> memref<128x144xf32, #tpu.memory_space<vmem>>
      %dma_start3A_80 = arith.constant 0 : i32
      %dma_start3A_81 = arith.constant 0 : i32
      %dma_start3A_82 = tpu.memref_slice %dma_start3A_79[%dma_start3A_80, %dma_start3A_81] : memref<128x144xf32, #tpu.memory_space<vmem>> -> memref<128x144xf32, #tpu.memory_space<vmem>>
      tpu.enqueue_dma source(%dma_start3A_82 : memref<128x144xf32, #tpu.memory_space<vmem>>) target(%dma_start3A_75 : memref<128x144xf32, #tpu.memory_space<hbm>>) target_semaphore(%run_scoped3A_64 : memref<!tpu.dma_semaphore, #tpu.memory_space<semaphore_mem>>)
      %dma_wait3A = arith.constant 0 : i32
      %dma_wait3A_83 = arith.constant 0 : i32
      %dma_wait3A_84 = tpu.memref_slice %arg11[%run_scoped3A_53, %dma_wait3A, %dma_wait3A_83] : memref<2x128x144xf32, #tpu.memory_space<vmem>> -> memref<1x128x144xf32, #tpu.memory_space<vmem>>
      %dma_wait3A_85 = tpu.memref_squeeze %dma_wait3A_84 : memref<1x128x144xf32, #tpu.memory_space<vmem>> -> memref<128x144xf32, #tpu.memory_space<vmem>>
      %dma_wait3A_86 = arith.constant 0 : i32
      %dma_wait3A_87 = arith.constant 0 : i32
      %dma_wait3A_88 = tpu.memref_slice %dma_wait3A_85[%dma_wait3A_86, %dma_wait3A_87] : memref<128x144xf32, #tpu.memory_space<vmem>> -> memref<128x144xf32, #tpu.memory_space<vmem>>
      %dma_wait3A_89 = arith.constant 0 : i32
      %dma_wait3A_90 = tpu.memref_slice %arg7[%add3A_52, %dma_wait3A_89] : memref<20224x144xf32, #tpu.memory_space<hbm>> -> memref<128x144xf32, #tpu.memory_space<hbm>>
      %dma_wait3A_91 = arith.constant 0 : i32
      %dma_wait3A_92 = tpu.memref_slice %arg7[%add3A_52, %dma_wait3A_91] : memref<20224x144xf32, #tpu.memory_space<hbm>> -> memref<128x144xf32, #tpu.memory_space<hbm>>
      %dma_wait3A_93 = arith.constant 0 : i32
      %dma_wait3A_94 = arith.constant 0 : i32
      %dma_wait3A_95 = tpu.memref_slice %arg11[%run_scoped3A_53, %dma_wait3A_93, %dma_wait3A_94] : memref<2x128x144xf32, #tpu.memory_space<vmem>> -> memref<1x128x144xf32, #tpu.memory_space<vmem>>
      %dma_wait3A_96 = tpu.memref_squeeze %dma_wait3A_95 : memref<1x128x144xf32, #tpu.memory_space<vmem>> -> memref<128x144xf32, #tpu.memory_space<vmem>>
      %dma_wait3A_97 = arith.constant 0 : i32
      %dma_wait3A_98 = arith.constant 0 : i32
      %dma_wait3A_99 = tpu.memref_slice %dma_wait3A_96[%dma_wait3A_97, %dma_wait3A_98] : memref<128x144xf32, #tpu.memory_space<vmem>> -> memref<128x144xf32, #tpu.memory_space<vmem>>
      tpu.wait_dma2 semaphore(%run_scoped3A_64 : memref<!tpu.dma_semaphore, #tpu.memory_space<semaphore_mem>>) src(%dma_wait3A_99 : memref<128x144xf32, #tpu.memory_space<vmem>>) dst(%dma_wait3A_92 : memref<128x144xf32, #tpu.memory_space<hbm>>)
      tpu.yield
    }) : () -> ()
    %run_scoped3A_54 = arith.constant 3 : i32
    %run_scoped3A_55 = arith.constant 0 : i32
    "tpu.region"() ({
      %run_scoped3A_64 = tpu.sem_alloc : memref<!tpu.dma_semaphore, #tpu.memory_space<semaphore_mem>>
      %dma_start3A_65 = arith.constant 0 : i32
      %dma_start3A_66 = arith.constant 0 : i32
      %dma_start3A_67 = tpu.memref_slice %arg11[%run_scoped3A_55, %dma_start3A_65, %dma_start3A_66] : memref<2x128x144xf32, #tpu.memory_space<vmem>> -> memref<1x128x144xf32, #tpu.memory_space<vmem>>
      %dma_start3A_68 = tpu.memref_squeeze %dma_start3A_67 : memref<1x128x144xf32, #tpu.memory_space<vmem>> -> memref<128x144xf32, #tpu.memory_space<vmem>>
      %dma_start3A_69 = arith.constant 0 : i32
      %dma_start3A_70 = tpu.memref_slice %arg10[%run_scoped3A_54, %dma_start3A_69] : memref<8x128xi32, #tpu.memory_space<vmem>> -> memref<1x128xi32, #tpu.memory_space<vmem>>
      %dma_start3A_71 = tpu.memref_squeeze %dma_start3A_70 : memref<1x128xi32, #tpu.memory_space<vmem>> -> memref<128xi32, #tpu.memory_space<vmem>>
      %dma_start3A_72 = arith.constant 0 : i32
      %dma_start3A_73 = arith.constant 0 : i32
      %dma_start3A_74 = tpu.memref_slice %arg12[%dma_start3A_72, %dma_start3A_73] : memref<10112x144xf32, #tpu.memory_space<vmem_shared>> -> memref<10112x144xf32, #tpu.memory_space<vmem_shared>>
      tpu.enqueue_indirect_dma source(%dma_start3A_74 : memref<10112x144xf32, #tpu.memory_space<vmem_shared>>) target(%dma_start3A_68 : memref<128x144xf32, #tpu.memory_space<vmem>>) offsets(%dma_start3A_71 : memref<128xi32, #tpu.memory_space<vmem>>) semaphore(%run_scoped3A_64 : memref<!tpu.dma_semaphore, #tpu.memory_space<semaphore_mem>>)
      %dma_wait3A = arith.constant 0 : i32
      %dma_wait3A_75 = arith.constant 0 : i32
      %dma_wait3A_76 = tpu.memref_slice %arg11[%run_scoped3A_55, %dma_wait3A, %dma_wait3A_75] : memref<2x128x144xf32, #tpu.memory_space<vmem>> -> memref<1x128x144xf32, #tpu.memory_space<vmem>>
      %dma_wait3A_77 = tpu.memref_squeeze %dma_wait3A_76 : memref<1x128x144xf32, #tpu.memory_space<vmem>> -> memref<128x144xf32, #tpu.memory_space<vmem>>
      %dma_wait3A_78 = arith.constant 0 : i32
      %dma_wait3A_79 = tpu.memref_slice %arg10[%run_scoped3A_54, %dma_wait3A_78] : memref<8x128xi32, #tpu.memory_space<vmem>> -> memref<1x128xi32, #tpu.memory_space<vmem>>
      %dma_wait3A_80 = tpu.memref_squeeze %dma_wait3A_79 : memref<1x128xi32, #tpu.memory_space<vmem>> -> memref<128xi32, #tpu.memory_space<vmem>>
      %dma_wait3A_81 = arith.constant 0 : i32
      %dma_wait3A_82 = arith.constant 0 : i32
      %dma_wait3A_83 = tpu.memref_slice %arg12[%dma_wait3A_81, %dma_wait3A_82] : memref<10112x144xf32, #tpu.memory_space<vmem_shared>> -> memref<10112x144xf32, #tpu.memory_space<vmem_shared>>
      tpu.wait_indirect_dma semaphore(%run_scoped3A_64 : memref<!tpu.dma_semaphore, #tpu.memory_space<semaphore_mem>>) src(%dma_wait3A_83 : memref<10112x144xf32, #tpu.memory_space<vmem_shared>>) dst(%dma_wait3A_77 : memref<128x144xf32, #tpu.memory_space<vmem>>)
      tpu.yield
    }) : () -> ()
    %add3A_56 = arith.constant 384 : i32
    %add3A_57 = arith.addi %multiple_of3A_8, %add3A_56 : i32
    %run_scoped3A_58 = arith.constant 0 : i32
    "tpu.region"() ({
      %run_scoped3A_64 = tpu.sem_alloc : memref<!tpu.dma_semaphore, #tpu.memory_space<semaphore_mem>>
      %dma_start3A_65 = arith.constant 0 : i32
      %dma_start3A_66 = arith.constant 0 : i32
      %dma_start3A_67 = tpu.memref_slice %arg11[%run_scoped3A_58, %dma_start3A_65, %dma_start3A_66] : memref<2x128x144xf32, #tpu.memory_space<vmem>> -> memref<1x128x144xf32, #tpu.memory_space<vmem>>
      %dma_start3A_68 = tpu.memref_squeeze %dma_start3A_67 : memref<1x128x144xf32, #tpu.memory_space<vmem>> -> memref<128x144xf32, #tpu.memory_space<vmem>>
      %dma_start3A_69 = arith.constant 0 : i32
      %dma_start3A_70 = arith.constant 0 : i32
      %dma_start3A_71 = tpu.memref_slice %dma_start3A_68[%dma_start3A_69, %dma_start3A_70] : memref<128x144xf32, #tpu.memory_space<vmem>> -> memref<128x144xf32, #tpu.memory_space<vmem>>
      %dma_start3A_72 = arith.constant 0 : i32
      %dma_start3A_73 = tpu.memref_slice %arg7[%add3A_57, %dma_start3A_72] : memref<20224x144xf32, #tpu.memory_space<hbm>> -> memref<128x144xf32, #tpu.memory_space<hbm>>
      %dma_start3A_74 = arith.constant 0 : i32
      %dma_start3A_75 = tpu.memref_slice %arg7[%add3A_57, %dma_start3A_74] : memref<20224x144xf32, #tpu.memory_space<hbm>> -> memref<128x144xf32, #tpu.memory_space<hbm>>
      %dma_start3A_76 = arith.constant 0 : i32
      %dma_start3A_77 = arith.constant 0 : i32
      %dma_start3A_78 = tpu.memref_slice %arg11[%run_scoped3A_58, %dma_start3A_76, %dma_start3A_77] : memref<2x128x144xf32, #tpu.memory_space<vmem>> -> memref<1x128x144xf32, #tpu.memory_space<vmem>>
      %dma_start3A_79 = tpu.memref_squeeze %dma_start3A_78 : memref<1x128x144xf32, #tpu.memory_space<vmem>> -> memref<128x144xf32, #tpu.memory_space<vmem>>
      %dma_start3A_80 = arith.constant 0 : i32
      %dma_start3A_81 = arith.constant 0 : i32
      %dma_start3A_82 = tpu.memref_slice %dma_start3A_79[%dma_start3A_80, %dma_start3A_81] : memref<128x144xf32, #tpu.memory_space<vmem>> -> memref<128x144xf32, #tpu.memory_space<vmem>>
      tpu.enqueue_dma source(%dma_start3A_82 : memref<128x144xf32, #tpu.memory_space<vmem>>) target(%dma_start3A_75 : memref<128x144xf32, #tpu.memory_space<hbm>>) target_semaphore(%run_scoped3A_64 : memref<!tpu.dma_semaphore, #tpu.memory_space<semaphore_mem>>)
      %dma_wait3A = arith.constant 0 : i32
      %dma_wait3A_83 = arith.constant 0 : i32
      %dma_wait3A_84 = tpu.memref_slice %arg11[%run_scoped3A_58, %dma_wait3A, %dma_wait3A_83] : memref<2x128x144xf32, #tpu.memory_space<vmem>> -> memref<1x128x144xf32, #tpu.memory_space<vmem>>
      %dma_wait3A_85 = tpu.memref_squeeze %dma_wait3A_84 : memref<1x128x144xf32, #tpu.memory_space<vmem>> -> memref<128x144xf32, #tpu.memory_space<vmem>>
      %dma_wait3A_86 = arith.constant 0 : i32
      %dma_wait3A_87 = arith.constant 0 : i32
      %dma_wait3A_88 = tpu.memref_slice %dma_wait3A_85[%dma_wait3A_86, %dma_wait3A_87] : memref<128x144xf32, #tpu.memory_space<vmem>> -> memref<128x144xf32, #tpu.memory_space<vmem>>
      %dma_wait3A_89 = arith.constant 0 : i32
      %dma_wait3A_90 = tpu.memref_slice %arg7[%add3A_57, %dma_wait3A_89] : memref<20224x144xf32, #tpu.memory_space<hbm>> -> memref<128x144xf32, #tpu.memory_space<hbm>>
      %dma_wait3A_91 = arith.constant 0 : i32
      %dma_wait3A_92 = tpu.memref_slice %arg7[%add3A_57, %dma_wait3A_91] : memref<20224x144xf32, #tpu.memory_space<hbm>> -> memref<128x144xf32, #tpu.memory_space<hbm>>
      %dma_wait3A_93 = arith.constant 0 : i32
      %dma_wait3A_94 = arith.constant 0 : i32
      %dma_wait3A_95 = tpu.memref_slice %arg11[%run_scoped3A_58, %dma_wait3A_93, %dma_wait3A_94] : memref<2x128x144xf32, #tpu.memory_space<vmem>> -> memref<1x128x144xf32, #tpu.memory_space<vmem>>
      %dma_wait3A_96 = tpu.memref_squeeze %dma_wait3A_95 : memref<1x128x144xf32, #tpu.memory_space<vmem>> -> memref<128x144xf32, #tpu.memory_space<vmem>>
      %dma_wait3A_97 = arith.constant 0 : i32
      %dma_wait3A_98 = arith.constant 0 : i32
      %dma_wait3A_99 = tpu.memref_slice %dma_wait3A_96[%dma_wait3A_97, %dma_wait3A_98] : memref<128x144xf32, #tpu.memory_space<vmem>> -> memref<128x144xf32, #tpu.memory_space<vmem>>
      tpu.wait_dma2 semaphore(%run_scoped3A_64 : memref<!tpu.dma_semaphore, #tpu.memory_space<semaphore_mem>>) src(%dma_wait3A_99 : memref<128x144xf32, #tpu.memory_space<vmem>>) dst(%dma_wait3A_92 : memref<128x144xf32, #tpu.memory_space<hbm>>)
      tpu.yield
    }) : () -> ()
    %run_scoped3A_59 = arith.constant 4 : i32
    %run_scoped3A_60 = arith.constant 0 : i32
    "tpu.region"() ({
      %run_scoped3A_64 = tpu.sem_alloc : memref<!tpu.dma_semaphore, #tpu.memory_space<semaphore_mem>>
      %dma_start3A_65 = arith.constant 0 : i32
      %dma_start3A_66 = arith.constant 0 : i32
      %dma_start3A_67 = tpu.memref_slice %arg11[%run_scoped3A_60, %dma_start3A_65, %dma_start3A_66] : memref<2x128x144xf32, #tpu.memory_space<vmem>> -> memref<1x128x144xf32, #tpu.memory_space<vmem>>
      %dma_start3A_68 = tpu.memref_squeeze %dma_start3A_67 : memref<1x128x144xf32, #tpu.memory_space<vmem>> -> memref<128x144xf32, #tpu.memory_space<vmem>>
      %dma_start3A_69 = arith.constant 0 : i32
      %dma_start3A_70 = tpu.memref_slice %arg10[%run_scoped3A_59, %dma_start3A_69] : memref<8x128xi32, #tpu.memory_space<vmem>> -> memref<1x128xi32, #tpu.memory_space<vmem>>
      %dma_start3A_71 = tpu.memref_squeeze %dma_start3A_70 : memref<1x128xi32, #tpu.memory_space<vmem>> -> memref<128xi32, #tpu.memory_space<vmem>>
      %dma_start3A_72 = arith.constant 0 : i32
      %dma_start3A_73 = arith.constant 0 : i32
      %dma_start3A_74 = tpu.memref_slice %arg12[%dma_start3A_72, %dma_start3A_73] : memref<10112x144xf32, #tpu.memory_space<vmem_shared>> -> memref<10112x144xf32, #tpu.memory_space<vmem_shared>>
      tpu.enqueue_indirect_dma source(%dma_start3A_74 : memref<10112x144xf32, #tpu.memory_space<vmem_shared>>) target(%dma_start3A_68 : memref<128x144xf32, #tpu.memory_space<vmem>>) offsets(%dma_start3A_71 : memref<128xi32, #tpu.memory_space<vmem>>) semaphore(%run_scoped3A_64 : memref<!tpu.dma_semaphore, #tpu.memory_space<semaphore_mem>>)
      %dma_wait3A = arith.constant 0 : i32
      %dma_wait3A_75 = arith.constant 0 : i32
      %dma_wait3A_76 = tpu.memref_slice %arg11[%run_scoped3A_60, %dma_wait3A, %dma_wait3A_75] : memref<2x128x144xf32, #tpu.memory_space<vmem>> -> memref<1x128x144xf32, #tpu.memory_space<vmem>>
      %dma_wait3A_77 = tpu.memref_squeeze %dma_wait3A_76 : memref<1x128x144xf32, #tpu.memory_space<vmem>> -> memref<128x144xf32, #tpu.memory_space<vmem>>
      %dma_wait3A_78 = arith.constant 0 : i32
      %dma_wait3A_79 = tpu.memref_slice %arg10[%run_scoped3A_59, %dma_wait3A_78] : memref<8x128xi32, #tpu.memory_space<vmem>> -> memref<1x128xi32, #tpu.memory_space<vmem>>
      %dma_wait3A_80 = tpu.memref_squeeze %dma_wait3A_79 : memref<1x128xi32, #tpu.memory_space<vmem>> -> memref<128xi32, #tpu.memory_space<vmem>>
      %dma_wait3A_81 = arith.constant 0 : i32
      %dma_wait3A_82 = arith.constant 0 : i32
      %dma_wait3A_83 = tpu.memref_slice %arg12[%dma_wait3A_81, %dma_wait3A_82] : memref<10112x144xf32, #tpu.memory_space<vmem_shared>> -> memref<10112x144xf32, #tpu.memory_space<vmem_shared>>
      tpu.wait_indirect_dma semaphore(%run_scoped3A_64 : memref<!tpu.dma_semaphore, #tpu.memory_space<semaphore_mem>>) src(%dma_wait3A_83 : memref<10112x144xf32, #tpu.memory_space<vmem_shared>>) dst(%dma_wait3A_77 : memref<128x144xf32, #tpu.memory_space<vmem>>)
      tpu.yield
    }) : () -> ()
    %add3A_61 = arith.constant 512 : i32
    %add3A_62 = arith.addi %multiple_of3A_8, %add3A_61 : i32
    %run_scoped3A_63 = arith.constant 0 : i32
    "tpu.region"() ({
      %run_scoped3A_64 = tpu.sem_alloc : memref<!tpu.dma_semaphore, #tpu.memory_space<semaphore_mem>>
      %dma_start3A_65 = arith.constant 0 : i32
      %dma_start3A_66 = arith.constant 0 : i32
      %dma_start3A_67 = tpu.memref_slice %arg11[%run_scoped3A_63, %dma_start3A_65, %dma_start3A_66] : memref<2x128x144xf32, #tpu.memory_space<vmem>> -> memref<1x128x144xf32, #tpu.memory_space<vmem>>
      %dma_start3A_68 = tpu.memref_squeeze %dma_start3A_67 : memref<1x128x144xf32, #tpu.memory_space<vmem>> -> memref<128x144xf32, #tpu.memory_space<vmem>>
      %dma_start3A_69 = arith.constant 0 : i32
      %dma_start3A_70 = arith.constant 0 : i32
      %dma_start3A_71 = tpu.memref_slice %dma_start3A_68[%dma_start3A_69, %dma_start3A_70] : memref<128x144xf32, #tpu.memory_space<vmem>> -> memref<120x144xf32, #tpu.memory_space<vmem>>
      %dma_start3A_72 = arith.constant 0 : i32
      %dma_start3A_73 = tpu.memref_slice %arg7[%add3A_62, %dma_start3A_72] : memref<20224x144xf32, #tpu.memory_space<hbm>> -> memref<120x144xf32, #tpu.memory_space<hbm>>
      %dma_start3A_74 = arith.constant 0 : i32
      %dma_start3A_75 = tpu.memref_slice %arg7[%add3A_62, %dma_start3A_74] : memref<20224x144xf32, #tpu.memory_space<hbm>> -> memref<120x144xf32, #tpu.memory_space<hbm>>
      %dma_start3A_76 = arith.constant 0 : i32
      %dma_start3A_77 = arith.constant 0 : i32
      %dma_start3A_78 = tpu.memref_slice %arg11[%run_scoped3A_63, %dma_start3A_76, %dma_start3A_77] : memref<2x128x144xf32, #tpu.memory_space<vmem>> -> memref<1x128x144xf32, #tpu.memory_space<vmem>>
      %dma_start3A_79 = tpu.memref_squeeze %dma_start3A_78 : memref<1x128x144xf32, #tpu.memory_space<vmem>> -> memref<128x144xf32, #tpu.memory_space<vmem>>
      %dma_start3A_80 = arith.constant 0 : i32
      %dma_start3A_81 = arith.constant 0 : i32
      %dma_start3A_82 = tpu.memref_slice %dma_start3A_79[%dma_start3A_80, %dma_start3A_81] : memref<128x144xf32, #tpu.memory_space<vmem>> -> memref<120x144xf32, #tpu.memory_space<vmem>>
      tpu.enqueue_dma source(%dma_start3A_82 : memref<120x144xf32, #tpu.memory_space<vmem>>) target(%dma_start3A_75 : memref<120x144xf32, #tpu.memory_space<hbm>>) target_semaphore(%run_scoped3A_64 : memref<!tpu.dma_semaphore, #tpu.memory_space<semaphore_mem>>)
      %dma_wait3A = arith.constant 0 : i32
      %dma_wait3A_83 = arith.constant 0 : i32
      %dma_wait3A_84 = tpu.memref_slice %arg11[%run_scoped3A_63, %dma_wait3A, %dma_wait3A_83] : memref<2x128x144xf32, #tpu.memory_space<vmem>> -> memref<1x128x144xf32, #tpu.memory_space<vmem>>
      %dma_wait3A_85 = tpu.memref_squeeze %dma_wait3A_84 : memref<1x128x144xf32, #tpu.memory_space<vmem>> -> memref<128x144xf32, #tpu.memory_space<vmem>>
      %dma_wait3A_86 = arith.constant 0 : i32
      %dma_wait3A_87 = arith.constant 0 : i32
      %dma_wait3A_88 = tpu.memref_slice %dma_wait3A_85[%dma_wait3A_86, %dma_wait3A_87] : memref<128x144xf32, #tpu.memory_space<vmem>> -> memref<120x144xf32, #tpu.memory_space<vmem>>
      %dma_wait3A_89 = arith.constant 0 : i32
      %dma_wait3A_90 = tpu.memref_slice %arg7[%add3A_62, %dma_wait3A_89] : memref<20224x144xf32, #tpu.memory_space<hbm>> -> memref<120x144xf32, #tpu.memory_space<hbm>>
      %dma_wait3A_91 = arith.constant 0 : i32
      %dma_wait3A_92 = tpu.memref_slice %arg7[%add3A_62, %dma_wait3A_91] : memref<20224x144xf32, #tpu.memory_space<hbm>> -> memref<120x144xf32, #tpu.memory_space<hbm>>
      %dma_wait3A_93 = arith.constant 0 : i32
      %dma_wait3A_94 = arith.constant 0 : i32
      %dma_wait3A_95 = tpu.memref_slice %arg11[%run_scoped3A_63, %dma_wait3A_93, %dma_wait3A_94] : memref<2x128x144xf32, #tpu.memory_space<vmem>> -> memref<1x128x144xf32, #tpu.memory_space<vmem>>
      %dma_wait3A_96 = tpu.memref_squeeze %dma_wait3A_95 : memref<1x128x144xf32, #tpu.memory_space<vmem>> -> memref<128x144xf32, #tpu.memory_space<vmem>>
      %dma_wait3A_97 = arith.constant 0 : i32
      %dma_wait3A_98 = arith.constant 0 : i32
      %dma_wait3A_99 = tpu.memref_slice %dma_wait3A_96[%dma_wait3A_97, %dma_wait3A_98] : memref<128x144xf32, #tpu.memory_space<vmem>> -> memref<120x144xf32, #tpu.memory_space<vmem>>
      tpu.wait_dma2 semaphore(%run_scoped3A_64 : memref<!tpu.dma_semaphore, #tpu.memory_space<semaphore_mem>>) src(%dma_wait3A_99 : memref<120x144xf32, #tpu.memory_space<vmem>>) dst(%dma_wait3A_92 : memref<120x144xf32, #tpu.memory_space<hbm>>)
      tpu.yield
    }) : () -> ()
    return
  }
}

module attributes {stable_mosaic.version = 14 : i64} {
  func.func @body(%arg0: i32, %arg1: memref<1000x128xf32, #tpu.memory_space<vmem>>, %arg2: memref<1000x16xf32, #tpu.memory_space<vmem>>, %arg3: memref<1000x128xf32, #tpu.memory_space<vmem>>, %arg4: memref<1000x128xf32, #tpu.memory_space<vmem>>, %arg5: memref<1000x16xf32, #tpu.memory_space<vmem>>, %arg6: memref<1000x128xf32, #tpu.memory_space<vmem>>, %arg7: memref<128x128xf32, #tpu.memory_space<vmem>>, %arg8: memref<1x128xf32, #tpu.memory_space<vmem>>, %arg9: memref<128x128xf32, #tpu.memory_space<vmem>>, %arg10: memref<128x128xf32, #tpu.memory_space<vmem>>, %arg11: memref<1x128xf32, #tpu.memory_space<vmem>>, %arg12: memref<128x128xf32, #tpu.memory_space<vmem>>, %arg13: memref<128x1xf32, #tpu.memory_space<vmem>>, %arg14: memref<1x1xf32, #tpu.memory_space<vmem>>, %arg15: memref<1x1xf32, #tpu.memory_space<vmem>>, %arg16: memref<1000x128xf32, #tpu.memory_space<vmem>>, %arg17: memref<1000x1xf32, #tpu.memory_space<vmem>>) attributes {dimension_semantics = [#tpu.dimension_semantics<arbitrary>], iteration_bounds = array<i64: 10>, scalar_prefetch = 0 : i64, scratch_operands = 0 : i64, tpu.core_type = #tpu.core_type<tc>, window_params = [{transform_indices = @transform_0, window_bounds = array<i64: 1000, 128>}, {transform_indices = @transform_1, window_bounds = array<i64: 1000, 16>}, {transform_indices = @transform_2, window_bounds = array<i64: 1000, 128>}, {transform_indices = @transform_3, window_bounds = array<i64: 1000, 128>}, {transform_indices = @transform_4, window_bounds = array<i64: 1000, 16>}, {transform_indices = @transform_5, window_bounds = array<i64: 1000, 128>}, {pipeline_mode = #tpu.pipeline_mode<synchronous>, transform_indices = @transform_6, window_bounds = array<i64: 128, 128>}, {pipeline_mode = #tpu.pipeline_mode<synchronous>, transform_indices = @transform_7, window_bounds = array<i64: 1, 128>}, {pipeline_mode = #tpu.pipeline_mode<synchronous>, transform_indices = @transform_8, window_bounds = array<i64: 128, 128>}, {pipeline_mode = #tpu.pipeline_mode<synchronous>, transform_indices = @transform_9, window_bounds = array<i64: 128, 128>}, {pipeline_mode = #tpu.pipeline_mode<synchronous>, transform_indices = @transform_10, window_bounds = array<i64: 1, 128>}, {pipeline_mode = #tpu.pipeline_mode<synchronous>, transform_indices = @transform_11, window_bounds = array<i64: 128, 128>}, {pipeline_mode = #tpu.pipeline_mode<synchronous>, transform_indices = @transform_12, window_bounds = array<i64: 128, 1>}, {pipeline_mode = #tpu.pipeline_mode<synchronous>, transform_indices = @transform_13, window_bounds = array<i64: 1, 1>}, {pipeline_mode = #tpu.pipeline_mode<synchronous>, transform_indices = @transform_14, window_bounds = array<i64: 1, 1>}, {transform_indices = @transform_15, window_bounds = array<i64: 1000, 128>}, {transform_indices = @transform_16, window_bounds = array<i64: 1000, 1>}]} {
    %get3A = arith.constant 0 : index
    %get3A_0 = arith.constant 0 : index
    %get3A_1 = vector.load %arg2[%get3A, %get3A_0] : memref<1000x16xf32, #tpu.memory_space<vmem>>, vector<1000x1xf32>
    %max3A = arith.constant 1.000000e+00 : f32
    %max3A_2 = vector.broadcast %max3A : f32 to vector<1000x1xf32>
    %max3A_3 = arith.maximumf %get3A_1, %max3A_2 : vector<1000x1xf32>
    %get3A_4 = arith.constant 0 : index
    %get3A_5 = arith.constant 0 : index
    %get3A_6 = vector.load %arg1[%get3A_4, %get3A_5] : memref<1000x128xf32, #tpu.memory_space<vmem>>, vector<1000x128xf32>
    %div3A = vector.broadcast %max3A_3 : vector<1000x1xf32> to vector<1000x128xf32>
    %div3A_7 = arith.divf %get3A_6, %div3A : vector<1000x128xf32>
    %get3A_8 = arith.constant 0 : index
    %get3A_9 = arith.constant 0 : index
    %get3A_10 = vector.load %arg7[%get3A_8, %get3A_9] : memref<128x128xf32, #tpu.memory_space<vmem>>, vector<128x128xf32>
    %dot_general3A = arith.constant dense<0.000000e+00> : vector<1000x128xf32>
    %dot_general3A_11 = tpu.matmul %div3A_7, %get3A_10, %dot_general3A {dimension_numbers = #tpu.dot_dimension_numbers<[1], [0], [0], [1], [0, 0, 1, 1], [], []>, transpose_lhs_hint = false} : vector<1000x128xf32>, vector<128x128xf32>, vector<1000x128xf32> -> vector<1000x128xf32>
    %get3A_12 = arith.constant 0 : index
    %get3A_13 = arith.constant 0 : index
    %get3A_14 = vector.load %arg8[%get3A_12, %get3A_13] : memref<1x128xf32, #tpu.memory_space<vmem>>, vector<1x128xf32>
    %add3A = vector.broadcast %get3A_14 : vector<1x128xf32> to vector<1000x128xf32>
    %add3A_15 = arith.addf %dot_general3A_11, %add3A : vector<1000x128xf32>
    %get3A_16 = arith.constant 0 : index
    %get3A_17 = arith.constant 0 : index
    %get3A_18 = vector.load %arg3[%get3A_16, %get3A_17] : memref<1000x128xf32, #tpu.memory_space<vmem>>, vector<1000x128xf32>
    %get3A_19 = arith.constant 0 : index
    %get3A_20 = arith.constant 0 : index
    %get3A_21 = vector.load %arg9[%get3A_19, %get3A_20] : memref<128x128xf32, #tpu.memory_space<vmem>>, vector<128x128xf32>
    %dot_general3A_22 = arith.constant dense<0.000000e+00> : vector<1000x128xf32>
    %dot_general3A_23 = tpu.matmul %get3A_18, %get3A_21, %dot_general3A_22 {dimension_numbers = #tpu.dot_dimension_numbers<[1], [0], [0], [1], [0, 0, 1, 1], [], []>, transpose_lhs_hint = false} : vector<1000x128xf32>, vector<128x128xf32>, vector<1000x128xf32> -> vector<1000x128xf32>
    %add3A_24 = arith.addf %add3A_15, %dot_general3A_23 : vector<1000x128xf32>
    %max3A_25 = arith.constant 0.000000e+00 : f32
    %max3A_26 = vector.broadcast %max3A_25 : f32 to vector<1000x128xf32>
    %max3A_27 = arith.maximumf %add3A_24, %max3A_26 : vector<1000x128xf32>
    %get3A_28 = arith.constant 0 : index
    %get3A_29 = arith.constant 0 : index
    %get3A_30 = vector.load %arg5[%get3A_28, %get3A_29] : memref<1000x16xf32, #tpu.memory_space<vmem>>, vector<1000x1xf32>
    %max3A_31 = arith.constant 1.000000e+00 : f32
    %max3A_32 = vector.broadcast %max3A_31 : f32 to vector<1000x1xf32>
    %max3A_33 = arith.maximumf %get3A_30, %max3A_32 : vector<1000x1xf32>
    %get3A_34 = arith.constant 0 : index
    %get3A_35 = arith.constant 0 : index
    %get3A_36 = vector.load %arg4[%get3A_34, %get3A_35] : memref<1000x128xf32, #tpu.memory_space<vmem>>, vector<1000x128xf32>
    %div3A_37 = vector.broadcast %max3A_33 : vector<1000x1xf32> to vector<1000x128xf32>
    %div3A_38 = arith.divf %get3A_36, %div3A_37 : vector<1000x128xf32>
    %get3A_39 = arith.constant 0 : index
    %get3A_40 = arith.constant 0 : index
    %get3A_41 = vector.load %arg10[%get3A_39, %get3A_40] : memref<128x128xf32, #tpu.memory_space<vmem>>, vector<128x128xf32>
    %dot_general3A_42 = arith.constant dense<0.000000e+00> : vector<1000x128xf32>
    %dot_general3A_43 = tpu.matmul %div3A_38, %get3A_41, %dot_general3A_42 {dimension_numbers = #tpu.dot_dimension_numbers<[1], [0], [0], [1], [0, 0, 1, 1], [], []>, transpose_lhs_hint = false} : vector<1000x128xf32>, vector<128x128xf32>, vector<1000x128xf32> -> vector<1000x128xf32>
    %get3A_44 = arith.constant 0 : index
    %get3A_45 = arith.constant 0 : index
    %get3A_46 = vector.load %arg11[%get3A_44, %get3A_45] : memref<1x128xf32, #tpu.memory_space<vmem>>, vector<1x128xf32>
    %add3A_47 = vector.broadcast %get3A_46 : vector<1x128xf32> to vector<1000x128xf32>
    %add3A_48 = arith.addf %dot_general3A_43, %add3A_47 : vector<1000x128xf32>
    %get3A_49 = arith.constant 0 : index
    %get3A_50 = arith.constant 0 : index
    %get3A_51 = vector.load %arg6[%get3A_49, %get3A_50] : memref<1000x128xf32, #tpu.memory_space<vmem>>, vector<1000x128xf32>
    %get3A_52 = arith.constant 0 : index
    %get3A_53 = arith.constant 0 : index
    %get3A_54 = vector.load %arg12[%get3A_52, %get3A_53] : memref<128x128xf32, #tpu.memory_space<vmem>>, vector<128x128xf32>
    %dot_general3A_55 = arith.constant dense<0.000000e+00> : vector<1000x128xf32>
    %dot_general3A_56 = tpu.matmul %get3A_51, %get3A_54, %dot_general3A_55 {dimension_numbers = #tpu.dot_dimension_numbers<[1], [0], [0], [1], [0, 0, 1, 1], [], []>, transpose_lhs_hint = false} : vector<1000x128xf32>, vector<128x128xf32>, vector<1000x128xf32> -> vector<1000x128xf32>
    %add3A_57 = arith.addf %add3A_48, %dot_general3A_56 : vector<1000x128xf32>
    %max3A_58 = arith.constant 0.000000e+00 : f32
    %max3A_59 = vector.broadcast %max3A_58 : f32 to vector<1000x128xf32>
    %max3A_60 = arith.maximumf %add3A_57, %max3A_59 : vector<1000x128xf32>
    %swap3A = arith.constant 0 : index
    %swap3A_61 = arith.constant 0 : index
    %swap3A_62 = vector.load %arg16[%swap3A, %swap3A_61] : memref<1000x128xf32, #tpu.memory_space<vmem>>, vector<1000x128xf32>
    tpu.vector_store %arg16[%swap3A, %swap3A_61], %max3A_60 {strides = array<i32>} : memref<1000x128xf32, #tpu.memory_space<vmem>>, vector<1000x128xf32>,
    %get3A_63 = arith.constant 0 : index
    %get3A_64 = arith.constant 0 : index
    %get3A_65 = vector.load %arg13[%get3A_63, %get3A_64] : memref<128x1xf32, #tpu.memory_space<vmem>>, vector<128x1xf32>
    %dot_general3A_66 = arith.constant dense<0.000000e+00> : vector<1000x1xf32>
    %dot_general3A_67 = tpu.matmul %max3A_27, %get3A_65, %dot_general3A_66 {dimension_numbers = #tpu.dot_dimension_numbers<[1], [0], [0], [1], [0, 0, 1, 1], [], []>, transpose_lhs_hint = false} : vector<1000x128xf32>, vector<128x1xf32>, vector<1000x1xf32> -> vector<1000x1xf32>
    %get3A_68 = arith.constant 0 : index
    %get3A_69 = arith.constant 0 : index
    %get3A_70 = vector.load %arg14[%get3A_68, %get3A_69] : memref<1x1xf32, #tpu.memory_space<vmem>>, vector<1x1xf32>
    %add3A_71 = vector.broadcast %get3A_70 : vector<1x1xf32> to vector<1000x1xf32>
    %add3A_72 = arith.addf %dot_general3A_67, %add3A_71 : vector<1000x1xf32>
    %ge3A = arith.constant 0.000000e+00 : f32
    %ge3A_73 = vector.broadcast %ge3A : f32 to vector<1000x1xf32>
    %ge3A_74 = arith.cmpf oge, %add3A_72, %ge3A_73 : vector<1000x1xf32>
    %get3A_75 = arith.constant 0 : index
    %get3A_76 = arith.constant 0 : index
    %get3A_77 = vector.load %arg15[%get3A_75, %get3A_76] : memref<1x1xf32, #tpu.memory_space<vmem>>, vector<1x1xf32>
    %get3A_78 = vector.extract %get3A_77[0, 0] : f32 from vector<1x1xf32>
    %mul3A = vector.broadcast %get3A_78 : f32 to vector<1000x1xf32>
    %mul3A_79 = arith.mulf %mul3A, %add3A_72 : vector<1000x1xf32>
    %select_n3A = arith.select %ge3A_74, %add3A_72, %mul3A_79 : vector<1000x1xi1>, vector<1000x1xf32>
    %swap3A_80 = arith.constant 0 : index
    %swap3A_81 = arith.constant 0 : index
    %swap3A_82 = vector.load %arg17[%swap3A_80, %swap3A_81] : memref<1000x1xf32, #tpu.memory_space<vmem>>, vector<1000x1xf32>
    tpu.vector_store %arg17[%swap3A_80, %swap3A_81], %select_n3A {strides = array<i32>} : memref<1000x1xf32, #tpu.memory_space<vmem>>, vector<1000x1xf32>,
    return
  }
  func.func @transform_0(%arg0: i32) -> (i32, i32) {
    %c0_i32 = arith.constant 0 : i32
    %c0_i32_0 = arith.constant 0 : i32
    return %arg0, %c0_i32 : i32, i32
  }
  func.func @transform_1(%arg0: i32) -> (i32, i32) {
    %c0_i32 = arith.constant 0 : i32
    %c0_i32_0 = arith.constant 0 : i32
    return %arg0, %c0_i32 : i32, i32
  }
  func.func @transform_2(%arg0: i32) -> (i32, i32) {
    %c0_i32 = arith.constant 0 : i32
    %c0_i32_0 = arith.constant 0 : i32
    return %arg0, %c0_i32 : i32, i32
  }
  func.func @transform_3(%arg0: i32) -> (i32, i32) {
    %c0_i32 = arith.constant 0 : i32
    %c0_i32_0 = arith.constant 0 : i32
    return %arg0, %c0_i32 : i32, i32
  }
  func.func @transform_4(%arg0: i32) -> (i32, i32) {
    %c0_i32 = arith.constant 0 : i32
    %c0_i32_0 = arith.constant 0 : i32
    return %arg0, %c0_i32 : i32, i32
  }
  func.func @transform_5(%arg0: i32) -> (i32, i32) {
    %c0_i32 = arith.constant 0 : i32
    %c0_i32_0 = arith.constant 0 : i32
    return %arg0, %c0_i32 : i32, i32
  }
  func.func @transform_6(%arg0: i32) -> (i32, i32) {
    %c0_i32 = arith.constant 0 : i32
    %c0_i32_0 = arith.constant 0 : i32
    %c0_i32_1 = arith.constant 0 : i32
    return %c0_i32, %c0_i32_0 : i32, i32
  }
  func.func @transform_7(%arg0: i32) -> (i32, i32) {
    %c0_i32 = arith.constant 0 : i32
    %c0_i32_0 = arith.constant 0 : i32
    %c0_i32_1 = arith.constant 0 : i32
    return %c0_i32, %c0_i32_0 : i32, i32
  }
  func.func @transform_8(%arg0: i32) -> (i32, i32) {
    %c0_i32 = arith.constant 0 : i32
    %c0_i32_0 = arith.constant 0 : i32
    %c0_i32_1 = arith.constant 0 : i32
    return %c0_i32, %c0_i32_0 : i32, i32
  }
  func.func @transform_9(%arg0: i32) -> (i32, i32) {
    %c0_i32 = arith.constant 0 : i32
    %c0_i32_0 = arith.constant 0 : i32
    %c0_i32_1 = arith.constant 0 : i32
    return %c0_i32, %c0_i32_0 : i32, i32
  }
  func.func @transform_10(%arg0: i32) -> (i32, i32) {
    %c0_i32 = arith.constant 0 : i32
    %c0_i32_0 = arith.constant 0 : i32
    %c0_i32_1 = arith.constant 0 : i32
    return %c0_i32, %c0_i32_0 : i32, i32
  }
  func.func @transform_11(%arg0: i32) -> (i32, i32) {
    %c0_i32 = arith.constant 0 : i32
    %c0_i32_0 = arith.constant 0 : i32
    %c0_i32_1 = arith.constant 0 : i32
    return %c0_i32, %c0_i32_0 : i32, i32
  }
  func.func @transform_12(%arg0: i32) -> (i32, i32) {
    %c0_i32 = arith.constant 0 : i32
    %c0_i32_0 = arith.constant 0 : i32
    %c0_i32_1 = arith.constant 0 : i32
    return %c0_i32, %c0_i32_0 : i32, i32
  }
  func.func @transform_13(%arg0: i32) -> (i32, i32) {
    %c0_i32 = arith.constant 0 : i32
    %c0_i32_0 = arith.constant 0 : i32
    %c0_i32_1 = arith.constant 0 : i32
    return %c0_i32, %c0_i32_0 : i32, i32
  }
  func.func @transform_14(%arg0: i32) -> (i32, i32) {
    %c0_i32 = arith.constant 0 : i32
    %c0_i32_0 = arith.constant 0 : i32
    %c0_i32_1 = arith.constant 0 : i32
    return %c0_i32, %c0_i32_0 : i32, i32
  }
  func.func @transform_15(%arg0: i32) -> (i32, i32) {
    %c0_i32 = arith.constant 0 : i32
    %c0_i32_0 = arith.constant 0 : i32
    return %arg0, %c0_i32 : i32, i32
  }
  func.func @transform_16(%arg0: i32) -> (i32, i32) {
    %c0_i32 = arith.constant 0 : i32
    %c0_i32_0 = arith.constant 0 : i32
    return %arg0, %c0_i32 : i32, i32
  }
}

</mosaic_0001>

<sc_bundles>
// kernel: kernel.4.cloned.1.call-start
scs
__scs_entry_jumppad:
0x0: {  	(pc) =	sbr.rel $0x88, $3  }
0x1: {  	(tag) =	ssettag $0x0;
	lr =	simm.s32 $0x1  }
0x2: {  	[smem:$0x3F94] =	sst lr;
	_ =	strace $0xD0000000  }
0x3: {  	_ = 	snop  }
0x4: {  	_ = 	snop  }
0x5: {  	_ = 	snop  }
0x6: {  	_ = 	snop  }
0x7: {  	_ = 	snop  }
__scs_overlays_trampoline_lowered:
0x8: {  	[smem:$0x3FA3] =	sst s0  }
0x9: {  	[smem:$0x3FA4] =	sst s1  }
0xa: {  	[smem:$0x3FA5] =	sst s2  }
0xb: {  	[smem:$0x3FA6] =	sst s3  }
0xc: {  	[smem:$0x3FA7] =	sst s4  }
0xd: {  	[smem:$0x3FA8] =	sst s5  }
0xe: {  	[smem:$0x3FA9] =	sst s6  }
0xf: {  	[smem:$0x3FAA] =	sst s7  }
0x10: {  	[smem:$0x3FAB] =	sst s8  }
0x11: {  	[smem:$0x3FAC] =	sst s9;
	s0 =	simm.s32 @!p0 $0x0  }
0x12: {  	s1 =	sld [smem:$0x3F92];
	s0 =	simm.s32 @p0 $0x1  }
0x13: {  	[smem:$0x3FAD] =	sst s0;
	s0 =	simm.s32 @!p1 $0x0  }
0x14: {  	s2 =	sld [smem:$0x3F91];
	s0 =	simm.s32 @p1 $0x1  }
0x15: {  	[smem:$0x3FAE] =	sst s0;
	s0 =	simm.s32 @!p2 $0x0  }
0x16: {  	s3 =	sld [smem:$0x3FDB];
	s0 =	simm.s32 @p2 $0x1  }
0x17: {  	s4 =	simm.s32 $0x1BF5;
	[smem:$0x3FB0] =	sst s0  }
0x18: {  	s0 =	sld [smem:$0x3F93];
	_ =	swait.ge [sflag:s4], $0x0  }
0x19: {  	s7 =	sld [smem:$0x3F94]  }
0x1a: {  	s8 =	sadd.s32 $0xFFFFE003, lr  }
0x1b: {  	s9 =	sadd.s32 $0xFFFFFEF7, lr;
	s5 =	simm.s32 $0xFFFFFFFF;
	p2 =	slt.u32 s8, $0xFFFFF086  }
0x1c: {  	p1 =	slt.u32 s9, $0xF7A;
	s5 =	simm.s32 @!p2 $0x0  }
0x1d: {  	s5 =	simm.s32 @p1 $0x1;
	p0 =	seq.s32 s7, s2  }
0x1e: {  	s7 =	smul.u32 @!p0 $0xF7A, s2;
	p2 =	seq.s32 @!p0 s5, $0x0  }
0x1f: {  	s9 =	smul.u32 $0xF7A, s1;
	s8 =	simm.s32 @!p0 $0x1BF5;
	p2 =	por !p2, p0  }
0x20: {  	[sflag:s8] =	ssyncset.s32 @!p0 $0xFFFFF086;
	s6 =	sadd.s32 @!p0 s3, s7;
	s7 =	simm.s32 @!p0 $0x108  }
0x21: {  	s3 =	sadd.s32 s3, s9;
	s6 =	sadd.s32 @!p0 $0x88, s6;
	s7 =	simm.s32 @p2 $0x1082  }
0x22: {  	[simem:s7], [sflag:s8] =	dma.local @!p0 [hbm:s6], $0xF7A  }
0x23: {  	s9 =	sor.u32 $0xD0000000, s2;
	s6 =	simm.s32 $0x108;
	_ =	swait.ge @!p0 [sflag:s8], $0x0  }
0x24: {  	s3 =	sadd.s32 $0x88, s3;
	s6 =	simm.s32 @!p1 $0x1082;
	[sflag:s4] =	ssyncset.s32 $0xFFFFF086  }
0x25: {  	[simem:s6], [sflag:s4] =	dma.local [hbm:s3], $0xF7A  }
0x26: {  	[smem:$0x3F94] =	sst s1;
	(tag) =	ssettag s2;
	_ =	strace s9  }
0x27: {  	s1 =	sld [smem:$0x3FA4]  }
0x28: {  	s2 =	sld [smem:$0x3FA5]  }
0x29: {  	s4 =	sld [smem:$0x3FA7]  }
0x2a: {  	p0 =	seq.s32 s5, $0x0;
	s5 =	sld [smem:$0x3FA8]  }
0x2b: {  	s6 =	sld [smem:$0x3FA9]  }
0x2c: {  	s7 =	sld [smem:$0x3FAA]  }
0x2d: {  	s3 =	simm.s32 $0x108;
	s8 =	sld [smem:$0x3FAB]  }
0x2e: {  	s3 =	simm.s32 @!p0 $0x1082;
	s9 =	sld [smem:$0x3FAC]  }
0x2f: {  	lr =	sadd.s32 s0, s3;
	s0 =	sld [smem:$0x3FA3]  }
0x30: {  	s3 =	sld [smem:$0x3FA6]  }
0x31: {  	[smem:$0x3FAF] =	sst s10  }
0x32: {  	s10 =	sld [smem:$0x3FAD];
	_ =	sdelay $0x3  }
0x33: {  	p0 =	seq.s32 s10, $0x1;
	s10 =	sld [smem:$0x3FAF];
	_ =	sdelay $0x3  }
0x34: {  	[smem:$0x3FAF] =	sst s10  }
0x35: {  	s10 =	sld [smem:$0x3FAE];
	_ =	sdelay $0x3  }
0x36: {  	p1 =	seq.s32 s10, $0x1;
	s10 =	sld [smem:$0x3FAF];
	_ =	sdelay $0x3  }
0x37: {  	[smem:$0x3FAF] =	sst s10  }
0x38: {  	s10 =	sld [smem:$0x3FB0]  }
0x39: {  	_ = 	snop;
	(pc) =	sbr.ind lr, $3  }
0x3a: {  	_ = 	snop  }
0x3b: {  	_ = 	snop  }
0x3c: {  	p2 =	seq.s32 s10, $0x1;
	s10 =	sld [smem:$0x3FAF]  }
0x3d: {  	_ =	shalt  }
0x3e: {  	_ =	shalt  }
0x3f: {  	_ =	shalt  }
0x40: {  	_ =	shalt  }
0x41: {  	_ =	shalt  }
0x42: {  	_ =	shalt  }
0x43: {  	_ =	shalt  }
0x44: {  	_ =	shalt  }
0x45: {  	_ =	shalt  }
0x46: {  	_ =	shalt  }
0x47: {  	_ =	shalt  }
0x48: {  	_ =	shalt  }
0x49: {  	_ =	shalt  }
0x4a: {  	_ =	shalt  }
0x4b: {  	_ =	shalt  }
0x4c: {  	_ =	shalt  }
0x4d: {  	_ =	shalt  }
0x4e: {  	_ =	shalt  }
0x4f: {  	_ =	shalt  }
0x50: {  	_ =	shalt  }
0x51: {  	_ =	shalt  }
0x52: {  	_ =	shalt  }
0x53: {  	_ =	shalt  }
0x54: {  	_ =	shalt  }
0x55: {  	_ =	shalt  }
0x56: {  	_ =	shalt  }
0x57: {  	_ =	shalt  }
0x58: {  	_ =	shalt  }
0x59: {  	_ =	shalt  }
0x5a: {  	_ =	shalt  }
0x5b: {  	_ =	shalt  }
0x5c: {  	_ =	shalt  }
0x5d: {  	_ =	shalt  }
0x5e: {  	_ =	shalt  }
0x5f: {  	_ =	shalt  }
0x60: {  	_ =	shalt  }
0x61: {  	_ =	shalt  }
0x62: {  	_ =	shalt  }
0x63: {  	_ =	shalt  }
0x64: {  	_ =	shalt  }
0x65: {  	_ =	shalt  }
0x66: {  	_ =	shalt  }
0x67: {  	_ =	shalt  }
0x68: {  	_ =	shalt  }
0x69: {  	_ =	shalt  }
0x6a: {  	_ =	shalt  }
0x6b: {  	_ =	shalt  }
0x6c: {  	_ =	shalt  }
0x6d: {  	_ =	shalt  }
0x6e: {  	_ =	shalt  }
0x6f: {  	_ =	shalt  }
0x70: {  	_ =	shalt  }
0x71: {  	_ =	shalt  }
0x72: {  	_ =	shalt  }
0x73: {  	_ =	shalt  }
0x74: {  	_ =	shalt  }
0x75: {  	_ =	shalt  }
0x76: {  	_ =	shalt  }
0x77: {  	_ =	shalt  }
0x78: {  	_ =	shalt  }
0x79: {  	_ =	shalt  }
0x7a: {  	_ =	shalt  }
0x7b: {  	_ =	shalt  }
0x7c: {  	_ =	shalt  }
0x7d: {  	_ =	shalt  }
0x7e: {  	_ =	shalt  }
0x7f: {  	_ =	shalt  }
0x80: {  	_ =	shalt  }
0x81: {  	_ =	shalt  }
0x82: {  	_ =	shalt  }
0x83: {  	_ =	shalt  }
0x84: {  	_ =	shalt  }
0x85: {  	_ =	shalt  }
0x86: {  	_ =	shalt  }
0x87: {  	_ =	shalt  }
.Lfunc_end0:
.L_simem_size_0:
called_computation_lowered:
.L_overlay_start_0:
0x88: {  	s2 =	sld [smem:$0x3FD9]  }
0x89: {  	s3 =	sld [smem:$0x3FFE];
	_ =	sdelay $0x1  }
0x8a: {  	s1 =	srdreg.scid  }
0x8b: {  	s0 =	sand.u32 $0x1, s1  }
0x8c: {  	s14 =	sshll.u32 s0, $0xA;
	s2 =	sadd.s32 s3, s2  }
0x8d: {  	s2 =	sadd.s32 s2, s14  }
0x8e: {  	[smem:$0x3FBB] =	sst s2  }
0x8f: {  	_ = 	snop  }
0x90: {  	s2 =	sld [smem:$0x3FD0];
	_ =	sdelay $0x2  }
0x91: {  	s15 =	simm.s32 $0xA;
	s4 =	simm.s32 $0x10  }
0x92: {  	[smem:s4], [sflag:s15] =	dma.local [hbm:s2], $0x1  }
0x93: {  	_ =	swait.eq [sflag:s15], $0x1  }
0x94: {  	[sflag:s15] =	ssyncset.done $0x0  }
0x95: {  	[sflag:s15] =	ssyncadd.s32 $0xFFFFFFFF  }
0x96: {  	s16 =	sld [smem:$0x10];
	(tm) =	ssettm $0x1  }
0x97: {  	s17 =	sld [smem:$0x3FFB];
	_ =	sdelay $0x3  }
0x98: {  	_ =	strace s17  }
0x99: {  	s3 =	sld [smem:$0x3FFC];
	_ =	sdelay $0x3  }
0x9a: {  	_ =	strace s3  }
0x9b: {  	s3 =	sld [smem:$0x3FFD];
	_ =	sdelay $0x3  }
0x9c: {  	_ =	strace s3  }
0x9d: {  	_ =	strace $0x8FFFFFFF  }
0x9e: {  	s18 =	sld [smem:$0x3FDB];
	_ =	sdelay $0x1  }
0x9f: {  	s19 =	simm.s32 $_scs_section_size  }
0xa0: {  	s5 =	simm.s32 $_size__tile_overlayer_lowered;
	s6 =	simm.s32 $_tile_overlayer_lowered  }
0xa1: {  	s22 =	simm.s32 $0x1BFF;
	s21 =	sshll.u32 s6, $0x1;
	s3 =	sadd.s32 s19, s18  }
0xa2: {  	s7 =	simm.s32 $0x0;
	s20 =	sshll.u32 s5, $0x1;
	s5 =	sadd.s32 s21, s3  }
0xa3: {  	[timem:s7], [sflag:s22] =	dma.local [hbm:s5], s20  }
0xa4: {  	_ =	swait.ge [sflag:s22], s20  }
0xa5: {  	s4 =	ssub.s32 $0x0, s20;
	[sflag:s22] =	ssyncset.done $0x0  }
0xa6: {  	[sflag:s22] =	ssyncadd.s32 s4;
	_ =	sdelay $0x1  }
0xa7: {  	s23 =	simm.s32 $0x1B8B  }
0xa8: {  	_ =	swait.ge [sflag:s23], $0x1  }
0xa9: {  	[sflag:s23] =	ssyncset.done $0x0  }
0xaa: {  	s25 =	simm.s32 $0x1B8E;
	s24 =	sld [smem:$0x3FFE];
	[sflag:s23] =	ssyncadd.s32 $0xFFFFFFFF  }
0xab: {  	s26 =	simm.s32 $execute0_lowered;
	[smem:$0x3FD2] =	sst s25  }
0xac: {  	s5 =	sshll.u32 s26, $0x1;
	_ =	strace $0x80000046;
	[dreg:$0x1] =	wrdreg $0xFFFFFFFF  }
0xad: {  	s28 =	simm.s32 $_size_execute0_lowered;
	s3 =	sadd.s32 s3, s5;
	[dreg:$0x0] =	wrdreg $0x0  }
0xae: {  	s5 =	sshll.u32 s28, $0x1;
	[dreg:$0x2] =	wrdreg s3  }
0xaf: {  	[dreg:$0x3] =	wrdreg s5  }
0xb0: {  	[dreg:$0x4] =	wrdreg $0xC0  }
0xb1: {  	_ =	task [dreg:s7], $0x5FFFF  }
0xb2: {  	[dreg:$0x1] =	wrdreg $0xFFFFFFFF  }
0xb3: {  	[dreg:$0x0] =	wrdreg $0x60  }
0xb4: {  	[dreg:$0x2] =	wrdreg s24  }
0xb5: {  	[dreg:$0x3] =	wrdreg s16  }
0xb6: {  	[dreg:$0x4] =	wrdreg $0x98000  }
0xb7: {  	[dreg:$0x5] =	wrdreg $0x9  }
0xb8: {  	_ =	task.clear_ibuf [dreg:s7], $0x6FFFF;
	_ =	strace $0x90000046  }
0xb9: {  	s29 =	simm.s32 $0x9;
	_ =	strace $0x80000048  }
0xba: {  	_ =	swait.ge [sflag:s29], $0x1  }
0xbb: {  	[sflag:s29] =	ssyncadd.s32 $0xFFFFFFFF  }
0xbc: {  	_ =	strace $0x90000048  }
0xbd: {  	_ =	sfence  }
0xbe: {  	s30 =	sld [smem:$0x0];
	_ =	sdelay $0x2  }
0xbf: {  	s31 =	sshll.u32 s1, $0xD;
	s1 =	sshrl.u32 s1, $0x2  }
0xc0: {  	s3 =	sand.u32 $0x4000, s31;
	s1 =	sadd.s32 s1, s30  }
0xc1: {  	s0 =	sor.u32 s3, s0;
	s1 =	sshll.u32 s1, $0x11  }
0xc2: {  	s0 =	sor.u32 s1, s0  }
0xc3: {  	s0 =	sadd.s32 $0x8F2B, s0  }
0xc4: {  	[sflag:s0] =	ssyncadd.remote.s32 $0x1  }
0xc5: {  	_ =	sfence.sel $0xFFFF  }
0xc6: {  	[dreg:$0x0] =	wrdreg $0xFFFFFFFF;
	(pc) =	sbr.abs _section_cstart, $3  }
0xc7: {  	[dreg:$0x1] =	wrdreg $0xFFFFFFFF  }
0xc8: {  	_ =	task.clear_ibuf [dreg:s7], $0x2FFFF;
	_ =	strace $0x9FFFFFFF  }
0xc9: {  	(tm) =	ssettm $0x7FFFFFFF  }
tec
execute0_lowered:
.L_overlay_start_1:
0x0: {  	(tag) =	ssettag $0x1  }
0x1: {  	s0 =	rddreg [dreg:$0x0]  }
0x2: {  	s3 =	rddreg [dreg:$0x1]  }
0x3: {  	s1 =	rddreg [dreg:$0x2]  }
0x4: {  	s2 =	simm.s32 $0x0;
	s4 =	srdreg.scid;
	s11 =	stileid.u32  }
0x5: {  	s17 =	simm.s32 $0x400;
	s18 =	simm.s32 $0x2;
	s28 =	simm.s32 $0x5000  }
0x6: {  	s29 =	simm.s32 $0x100;
	s30 =	simm.s32 $0x280;
	s31 =	simm.s32 $0x180  }
0x7: {  	[smem:$0x7FF] =	sst s2;
	s5 =	sand.u32 $0x1, s4;
	s4 =	sadd.s32 $0x1400, s0  }
0x8: {  	s7 =	sshll.u32 s11, $0x7;
	s9 =	smul.u32 $0x278, s11;
	s16 =	sadd.s32 $0x59C00, s0  }
0x9: {  	s19 =	sadd.s32 $0x6DC00, s0;
	s23 =	smul.u32 $0xA00, s11;
	_ =	strace $0x80000047  }
0xa: {  	s6 =	smul.u32 $0x2780, s5;
	s8 =	sshll.u32 s5, $0x4;
	s7 =	sadd.s32 s7, s0  }
0xb: {  	s10 =	ssub.s32 $0x2, s5;
	[dreg:$0x4] =	wrdreg s19;
	s0 =	sadd.s32 $0x6E600, s0  }
0xc: {  	s5 =	smul.u32 $0xA000, s5;
	s19 =	simm.s32 $0x800;
	s8 =	sor.u32 s11, s8  }
0xd: {  	s20 =	sshrl.u32 s10, $0x1;
	s7 =	sadd.s32 $0x59400, s7;
	s6 =	sadd.s32 s9, s6  }
0xe: {  	s14 =	smul.u32 $0xA00, s8;
	s13 =	ssub.s32 s10, s20;
	[dreg:$0x5] =	wrdreg s7  }
0xf: {  	s24 =	sadd.s32 s5, s3;
	s26 =	sadd.s32 s5, s16;
	s9 =	smul.u32 $0x90, s6  }
0x10: {  	s20 =	simm.s32 $0x80;
	s5 =	simm.s32 $0x0;
	s6 =	smul.u32 $0x12, s6  }
0x11: {  	s13 =	smax.u32 s13, $0x1;
	s21 =	sadd.s32 s3, s14;
	s25 =	sadd.s32 s16, s14  }
0x12: {  	s16 =	sadd.s32 s23, s26;
	s26 =	simm.s32 $0x1;
	s3 =	simm.s32 $0x380  }
0x13: {  	[dreg:$0x6] =	wrdreg s21;
	s22 =	sshrl.u32 s9, $0x3;
	s6 =	sadd.s32 s0, s6  }
0x14: {  	s14 =	sadd.s32 $0x9C0, s25;
	s21 =	simm.s32 $0x480;
	s25 =	simm.s32 $0x200  }
0x15: {  	[dreg:$0x7] =	wrdreg s6;
	s0 =	sadd.s32 s0, s22;
	s22 =	simm.s32 $0x500  }
0x16: {  	s9 =	sadd.s32 $0x900, s0;
	s10 =	sadd.s32 $0x1200, s0;
	s11 =	sadd.s32 $0x1B00, s0  }
0x17: {  	s12 =	sadd.s32 $0x2400, s0;
	s0 =	sadd.s32 s23, s24;
	s23 =	simm.s32 $0x580  }
0x18: {  	s24 =	simm.s32 $0x600;
	s15 =	sadd.s32 $0x40, s0;
	s0 =	simm.s32 $0x300  }
.LBB2_1:
0x19: {  	s6 =	rddreg [dreg:$0x5]  }
0x1a: {  	[tilespmem:s17], [sflag:$0x2] =	stream.linear.gather [hbm4b:s6+s2], $0x400, $0x38;
	[tilespmem:$0x1FB80] =	vst v63  }
0x1b: {  	_ =	swait.ge [sflag:s18], $0x400  }
0x1c: {  	[sflag:s18] =	ssyncset.done $0x0  }
0x1d: {  	s7 =	rddreg [dreg:$0x4];
	[sflag:s18] =	ssyncadd.s32 $0xFFFFFC00  }
0x1e: {  	[tilespmem:s19], [sflag:$0x2] =	stream.linear.gather [hbm4b:s7+s2], $0x4800, $0x38;
	[tilespmem:$0x1FB80] =	vst v63  }
0x1f: {  	_ =	swait.ge [sflag:s18], $0x4800  }
0x20: {  	[sflag:s18] =	ssyncset.done $0x0  }
0x21: {  	[sflag:s18] =	ssyncadd.s32 $0xFFFFB800  }
0x22: {  	[spmem:s1] =	stream.indirect.scatter [tilespmem:s19], [sflag:$0x2], $0x90, s17, s20, $0xb8;
	[tilespmem:$0x1FB80] =	vst v63  }
0x23: {  	_ =	swait.ge [sflag:s18], $0x4800  }
0x24: {  	[sflag:s18] =	ssyncset.done $0x0  }
0x25: {  	[sflag:s18] =	ssyncadd.s32 $0xFFFFB800  }
0x26: {  	[spmem:s1] =	stream.indirect.scatter [tilespmem:s19], [sflag:$0x2], $0x90, s21, s20, $0xb8;
	[tilespmem:$0x1FB80] =	vst v63  }
0x27: {  	_ =	swait.ge [sflag:s18], $0x4800  }
0x28: {  	[sflag:s18] =	ssyncset.done $0x0  }
0x29: {  	[sflag:s18] =	ssyncadd.s32 $0xFFFFB800  }
0x2a: {  	[spmem:s1] =	stream.indirect.scatter [tilespmem:s19], [sflag:$0x2], $0x90, s22, s20, $0xb8;
	[tilespmem:$0x1FB80] =	vst v63  }
0x2b: {  	_ =	swait.ge [sflag:s18], $0x4800  }
0x2c: {  	[sflag:s18] =	ssyncset.done $0x0  }
0x2d: {  	[sflag:s18] =	ssyncadd.s32 $0xFFFFB800  }
0x2e: {  	[spmem:s1] =	stream.indirect.scatter [tilespmem:s19], [sflag:$0x2], $0x90, s23, s20, $0xb8;
	[tilespmem:$0x1FB80] =	vst v63  }
0x2f: {  	_ =	swait.ge [sflag:s18], $0x4800  }
0x30: {  	[sflag:s18] =	ssyncset.done $0x0  }
0x31: {  	[sflag:s18] =	ssyncadd.s32 $0xFFFFB800  }
0x32: {  	[spmem:s1] =	stream.indirect.scatter [tilespmem:s19], [sflag:$0x2], $0x90, s24, s20, $0xb8;
	[tilespmem:$0x1FB80] =	vst v63  }
0x33: {  	_ =	swait.ge [sflag:s18], $0x4800  }
0x34: {  	[sflag:s18] =	ssyncset.done $0x0  }
0x35: {  	[sflag:s18] =	ssyncadd.s32 $0xFFFFB800  }
0x36: {  	[bflag:$0x0] =	sbarrier.arrive $0xFFFF  }
0x37: {  	s8 =	rddreg [dreg:$0x6]  }
0x38: {  	[tilespmem:s2], [sflag:$0x2] =	stream.linear.gather [hbm4b:s8+s2], $0x200, $0x38;
	[tilespmem:$0x1FB80] =	vst v63  }
0x39: {  	_ =	swait.ge [sflag:s18], $0x200  }
0x3a: {  	[sflag:s18] =	ssyncset.done $0x0  }
0x3b: {  	[sflag:s18] =	ssyncadd.s32 $0xFFFFFE00  }
0x3c: {  	[tilespmem:s19], [sflag:$0x1] =	stream.indirect.gather [hbm4b:s4+s20], $0x90, s2, s20, $0xb8;
	[tilespmem:$0x1FB80] =	vst v63  }
0x3d: {  	s7 =	sadd.s32 $0x0, s16  }
0x3e: {  	[tilespmem:s25], [sflag:$0x2] =	stream.linear.gather [hbm4b:s7+s2], $0x200, $0x38;
	[tilespmem:$0x1FB80] =	vst v63  }
0x3f: {  	_ =	swait.ge [sflag:s18], $0x200  }
0x40: {  	[sflag:s18] =	ssyncset.done $0x0  }
0x41: {  	[sflag:s18] =	ssyncadd.s32 $0xFFFFFE00  }
0x42: {  	_ =	swait.ge [sflag:s26], $0x4800  }
0x43: {  	[sflag:s26] =	ssyncset.done $0x0  }
0x44: {  	[sflag:s26] =	ssyncadd.s32 $0xFFFFB800  }
0x45: {  	[tilespmem:s28], [sflag:$0x1] =	stream.indirect.gather [hbm4b:s4+s20], $0x90, s20, s20, $0xb8;
	[tilespmem:$0x1FB80] =	vst v63  }
0x46: {  	_ = 	snop  }
0x47: {  	[spmem:s1] =	stream.indirect.scatter.add.f32 [tilespmem:s19], [sflag:$0x2], $0x90, s25, s20, $0xb8;
	[tilespmem:$0x1FB80] =	vst v63  }
0x48: {  	_ =	swait.ge [sflag:s18], $0x4800  }
0x49: {  	[sflag:s18] =	ssyncset.done $0x0  }
0x4a: {  	[sflag:s18] =	ssyncadd.s32 $0xFFFFB800  }
0x4b: {  	_ =	swait.ge [sflag:s26], $0x4800  }
0x4c: {  	[sflag:s26] =	ssyncset.done $0x0  }
0x4d: {  	[sflag:s26] =	ssyncadd.s32 $0xFFFFB800  }
0x4e: {  	[tilespmem:s19], [sflag:$0x1] =	stream.indirect.gather [hbm4b:s4+s20], $0x90, s29, s20, $0xb8;
	[tilespmem:$0x1FB80] =	vst v63  }
0x4f: {  	_ = 	snop  }
0x50: {  	[spmem:s1] =	stream.indirect.scatter.add.f32 [tilespmem:s28], [sflag:$0x2], $0x90, s30, s20, $0xb8;
	[tilespmem:$0x1FB80] =	vst v63  }
0x51: {  	_ =	swait.ge [sflag:s18], $0x4800  }
0x52: {  	[sflag:s18] =	ssyncset.done $0x0  }
0x53: {  	[sflag:s18] =	ssyncadd.s32 $0xFFFFB800  }
0x54: {  	_ =	swait.ge [sflag:s26], $0x4800  }
0x55: {  	[sflag:s26] =	ssyncset.done $0x0  }
0x56: {  	[sflag:s26] =	ssyncadd.s32 $0xFFFFB800  }
0x57: {  	[tilespmem:s28], [sflag:$0x1] =	stream.indirect.gather [hbm4b:s4+s20], $0x90, s31, s20, $0xb8;
	[tilespmem:$0x1FB80] =	vst v63  }
0x58: {  	_ = 	snop  }
0x59: {  	[spmem:s1] =	stream.indirect.scatter.add.f32 [tilespmem:s19], [sflag:$0x2], $0x90, s0, s20, $0xb8;
	[tilespmem:$0x1FB80] =	vst v63  }
0x5a: {  	_ =	swait.ge [sflag:s18], $0x4800  }
0x5b: {  	[sflag:s18] =	ssyncset.done $0x0  }
0x5c: {  	[sflag:s18] =	ssyncadd.s32 $0xFFFFB800  }
0x5d: {  	_ =	swait.ge [sflag:s26], $0x4800  }
0x5e: {  	[sflag:s26] =	ssyncset.done $0x0  }
0x5f: {  	s8 =	sadd.s32 $0x0, s15;
	[sflag:s26] =	ssyncadd.s32 $0xFFFFB800  }
0x60: {  	[tilespmem:s2], [sflag:$0x2] =	stream.linear.gather [hbm4b:s8+s2], $0x200, $0x38;
	[tilespmem:$0x1FB80] =	vst v63  }
0x61: {  	_ =	swait.ge [sflag:s18], $0x200  }
0x62: {  	[sflag:s18] =	ssyncset.done $0x0  }
0x63: {  	[sflag:s18] =	ssyncadd.s32 $0xFFFFFE00  }
0x64: {  	[tilespmem:s19], [sflag:$0x1] =	stream.indirect.gather [hbm4b:s4+s20], $0x90, s2, s20, $0xb8;
	[tilespmem:$0x1FB80] =	vst v63  }
0x65: {  	_ = 	snop  }
0x66: {  	[spmem:s1] =	stream.indirect.scatter.add.f32 [tilespmem:s28], [sflag:$0x2], $0x90, s3, s20, $0xb8;
	[tilespmem:$0x1FB80] =	vst v63  }
0x67: {  	_ =	swait.ge [sflag:s18], $0x4800  }
0x68: {  	s6 =	simm.s32 $0x40;
	[sflag:s18] =	ssyncset.done $0x0  }
.LBB2_2:
0x69: {  	p0 =	sne.s32 s6, $0x980  }
0x6a: {  	[sflag:s18] =	ssyncadd.s32 $0xFFFFB800;
	s7 =	smov.u32 s6;
	s6 =	sadd.s32 $0x40, s6  }
0x6b: {  	s8 =	sadd.s32 s7, s16  }
0x6c: {  	[tilespmem:s25], [sflag:$0x2] =	stream.linear.gather [hbm4b:s8+s2], $0x200, $0x38;
	[tilespmem:$0x1FB80] =	vst v63  }
0x6d: {  	_ =	swait.ge [sflag:s18], $0x200  }
0x6e: {  	[sflag:s18] =	ssyncset.done $0x0  }
0x6f: {  	[sflag:s18] =	ssyncadd.s32 $0xFFFFFE00  }
0x70: {  	_ =	swait.ge [sflag:s26], $0x4800  }
0x71: {  	[sflag:s26] =	ssyncset.done $0x0  }
0x72: {  	[sflag:s26] =	ssyncadd.s32 $0xFFFFB800  }
0x73: {  	[tilespmem:s28], [sflag:$0x1] =	stream.indirect.gather [hbm4b:s4+s20], $0x90, s20, s20, $0xb8;
	[tilespmem:$0x1FB80] =	vst v63  }
0x74: {  	_ = 	snop  }
0x75: {  	[spmem:s1] =	stream.indirect.scatter.add.f32 [tilespmem:s19], [sflag:$0x2], $0x90, s25, s20, $0xb8;
	[tilespmem:$0x1FB80] =	vst v63  }
0x76: {  	_ =	swait.ge [sflag:s18], $0x4800  }
0x77: {  	[sflag:s18] =	ssyncset.done $0x0  }
0x78: {  	[sflag:s18] =	ssyncadd.s32 $0xFFFFB800  }
0x79: {  	_ =	swait.ge [sflag:s26], $0x4800  }
0x7a: {  	[sflag:s26] =	ssyncset.done $0x0  }
0x7b: {  	[sflag:s26] =	ssyncadd.s32 $0xFFFFB800  }
0x7c: {  	[tilespmem:s19], [sflag:$0x1] =	stream.indirect.gather [hbm4b:s4+s20], $0x90, s29, s20, $0xb8;
	[tilespmem:$0x1FB80] =	vst v63  }
0x7d: {  	_ = 	snop  }
0x7e: {  	[spmem:s1] =	stream.indirect.scatter.add.f32 [tilespmem:s28], [sflag:$0x2], $0x90, s30, s20, $0xb8;
	[tilespmem:$0x1FB80] =	vst v63  }
0x7f: {  	_ =	swait.ge [sflag:s18], $0x4800  }
0x80: {  	[sflag:s18] =	ssyncset.done $0x0  }
0x81: {  	[sflag:s18] =	ssyncadd.s32 $0xFFFFB800  }
0x82: {  	_ =	swait.ge [sflag:s26], $0x4800  }
0x83: {  	[sflag:s26] =	ssyncset.done $0x0  }
0x84: {  	[sflag:s26] =	ssyncadd.s32 $0xFFFFB800  }
0x85: {  	[tilespmem:s28], [sflag:$0x1] =	stream.indirect.gather [hbm4b:s4+s20], $0x90, s31, s20, $0xb8;
	[tilespmem:$0x1FB80] =	vst v63  }
0x86: {  	_ = 	snop  }
0x87: {  	[spmem:s1] =	stream.indirect.scatter.add.f32 [tilespmem:s19], [sflag:$0x2], $0x90, s0, s20, $0xb8;
	[tilespmem:$0x1FB80] =	vst v63  }
0x88: {  	_ =	swait.ge [sflag:s18], $0x4800  }
0x89: {  	[sflag:s18] =	ssyncset.done $0x0  }
0x8a: {  	[sflag:s18] =	ssyncadd.s32 $0xFFFFB800  }
0x8b: {  	_ =	swait.ge [sflag:s26], $0x4800  }
0x8c: {  	[sflag:s26] =	ssyncset.done $0x0  }
0x8d: {  	s7 =	sadd.s32 s7, s15;
	[sflag:s26] =	ssyncadd.s32 $0xFFFFB800  }
0x8e: {  	[tilespmem:s2], [sflag:$0x2] =	stream.linear.gather [hbm4b:s7+s2], $0x200, $0x38;
	[tilespmem:$0x1FB80] =	vst v63  }
0x8f: {  	_ =	swait.ge [sflag:s18], $0x200  }
0x90: {  	[sflag:s18] =	ssyncset.done $0x0  }
0x91: {  	[sflag:s18] =	ssyncadd.s32 $0xFFFFFE00  }
0x92: {  	[tilespmem:s19], [sflag:$0x1] =	stream.indirect.gather [hbm4b:s4+s20], $0x90, s2, s20, $0xb8;
	[tilespmem:$0x1FB80] =	vst v63  }
.Ltmp0:
0x93: {  	_ = 	snop;
	(pc) =	sbr.rel @p0 .LBB2_2-.Ltmp0, $4  }
0x94: {  	_ = 	snop  }
0x95: {  	[spmem:s1] =	stream.indirect.scatter.add.f32 [tilespmem:s28], [sflag:$0x2], $0x90, s3, s20, $0xb8;
	[tilespmem:$0x1FB80] =	vst v63  }
0x96: {  	_ =	swait.ge [sflag:s18], $0x4800  }
0x97: {  	[sflag:s18] =	ssyncset.done $0x0  }
0x98: {  	[sflag:s18] =	ssyncadd.s32 $0xFFFFB800  }
0x99: {  	[tilespmem:s25], [sflag:$0x2] =	stream.linear.gather [hbm4b:s14+s2], $0x200, $0x38;
	[tilespmem:$0x1FB80] =	vst v63  }
0x9a: {  	_ =	swait.ge [sflag:s18], $0x200  }
0x9b: {  	[sflag:s18] =	ssyncset.done $0x0  }
0x9c: {  	[sflag:s18] =	ssyncadd.s32 $0xFFFFFE00  }
0x9d: {  	_ =	swait.ge [sflag:s26], $0x4800  }
0x9e: {  	[sflag:s26] =	ssyncset.done $0x0  }
0x9f: {  	[sflag:s26] =	ssyncadd.s32 $0xFFFFB800  }
0xa0: {  	[tilespmem:s28], [sflag:$0x1] =	stream.indirect.gather [hbm4b:s4+s20], $0x90, s20, s20, $0xb8;
	[tilespmem:$0x1FB80] =	vst v63  }
0xa1: {  	_ = 	snop  }
0xa2: {  	[spmem:s1] =	stream.indirect.scatter.add.f32 [tilespmem:s19], [sflag:$0x2], $0x90, s25, s20, $0xb8;
	[tilespmem:$0x1FB80] =	vst v63  }
0xa3: {  	_ =	swait.ge [sflag:s18], $0x4800  }
0xa4: {  	[sflag:s18] =	ssyncset.done $0x0  }
0xa5: {  	[sflag:s18] =	ssyncadd.s32 $0xFFFFB800  }
0xa6: {  	_ =	swait.ge [sflag:s26], $0x4800  }
0xa7: {  	[sflag:s26] =	ssyncset.done $0x0  }
0xa8: {  	[sflag:s26] =	ssyncadd.s32 $0xFFFFB800  }
0xa9: {  	[tilespmem:s19], [sflag:$0x1] =	stream.indirect.gather [hbm4b:s4+s20], $0x90, s29, s20, $0xb8;
	[tilespmem:$0x1FB80] =	vst v63  }
0xaa: {  	_ = 	snop  }
0xab: {  	[spmem:s1] =	stream.indirect.scatter.add.f32 [tilespmem:s28], [sflag:$0x2], $0x90, s30, s20, $0xb8;
	[tilespmem:$0x1FB80] =	vst v63  }
0xac: {  	_ =	swait.ge [sflag:s18], $0x4800  }
0xad: {  	[sflag:s18] =	ssyncset.done $0x0  }
0xae: {  	[sflag:s18] =	ssyncadd.s32 $0xFFFFB800  }
0xaf: {  	_ =	swait.ge [sflag:s26], $0x4800  }
0xb0: {  	[sflag:s26] =	ssyncset.done $0x0  }
0xb1: {  	[sflag:s26] =	ssyncadd.s32 $0xFFFFB800  }
0xb2: {  	[tilespmem:s28], [sflag:$0x1] =	stream.indirect.gather [hbm4b:s4+s20], $0x90, s31, s20, $0xb8;
	[tilespmem:$0x1FB80] =	vst v63  }
0xb3: {  	_ = 	snop  }
0xb4: {  	[spmem:s1] =	stream.indirect.scatter.add.f32 [tilespmem:s19], [sflag:$0x2], $0x90, s0, s20, $0xb8;
	[tilespmem:$0x1FB80] =	vst v63  }
0xb5: {  	_ =	swait.ge [sflag:s18], $0x4800  }
0xb6: {  	[sflag:s18] =	ssyncset.done $0x0  }
0xb7: {  	[sflag:s18] =	ssyncadd.s32 $0xFFFFB800  }
0xb8: {  	_ =	swait.ge [sflag:s26], $0x4800  }
0xb9: {  	[sflag:s26] =	ssyncset.done $0x0  }
0xba: {  	[sflag:s26] =	ssyncadd.s32 $0xFFFFB800  }
0xbb: {  	[spmem:s1] =	stream.indirect.scatter.add.f32 [tilespmem:s28], [sflag:$0x2], $0x90, s3, s20, $0xb8;
	[tilespmem:$0x1FB80] =	vst v63  }
0xbc: {  	_ =	swait.ge [sflag:s18], $0x4800  }
0xbd: {  	[sflag:s18] =	ssyncset.done $0x0  }
0xbe: {  	[sflag:s18] =	ssyncadd.s32 $0xFFFFB800  }
0xbf: {  	[bflag:$0x0] =	sbarrier.arrive $0xFFFF  }
0xc0: {  	[tilespmem:s19], [sflag:$0x2] =	stream.indirect.gather [spmem:s1], $0x90, s17, s20, $0xb8;
	[tilespmem:$0x1FB80] =	vst v63  }
0xc1: {  	_ =	swait.ge [sflag:s18], $0x4800  }
0xc2: {  	[sflag:s18] =	ssyncset.done $0x0  }
0xc3: {  	s6 =	rddreg [dreg:$0x7];
	[sflag:s18] =	ssyncadd.s32 $0xFFFFB800  }
0xc4: {  	[hbm4b:s6+s2] =	stream.linear.scatter [tilespmem:s19], [sflag:$0x2], $0x4800, $0x38;
	[tilespmem:$0x1FB80] =	vst v63  }
0xc5: {  	_ =	swait.ge [sflag:s18], $0x4800  }
0xc6: {  	[sflag:s18] =	ssyncset.done $0x0  }
0xc7: {  	[sflag:s18] =	ssyncadd.s32 $0xFFFFB800  }
0xc8: {  	[tilespmem:s19], [sflag:$0x2] =	stream.indirect.gather [spmem:s1], $0x90, s21, s20, $0xb8;
	[tilespmem:$0x1FB80] =	vst v63  }
0xc9: {  	_ =	swait.ge [sflag:s18], $0x4800  }
0xca: {  	[sflag:s18] =	ssyncset.done $0x0  }
0xcb: {  	[sflag:s18] =	ssyncadd.s32 $0xFFFFB800  }
0xcc: {  	[hbm4b:s9+s2] =	stream.linear.scatter [tilespmem:s19], [sflag:$0x2], $0x4800, $0x38;
	[tilespmem:$0x1FB80] =	vst v63  }
0xcd: {  	_ =	swait.ge [sflag:s18], $0x4800  }
0xce: {  	[sflag:s18] =	ssyncset.done $0x0  }
0xcf: {  	[sflag:s18] =	ssyncadd.s32 $0xFFFFB800  }
0xd0: {  	[tilespmem:s19], [sflag:$0x2] =	stream.indirect.gather [spmem:s1], $0x90, s22, s20, $0xb8;
	[tilespmem:$0x1FB80] =	vst v63  }
0xd1: {  	_ =	swait.ge [sflag:s18], $0x4800  }
0xd2: {  	[sflag:s18] =	ssyncset.done $0x0  }
0xd3: {  	[sflag:s18] =	ssyncadd.s32 $0xFFFFB800  }
0xd4: {  	[hbm4b:s10+s2] =	stream.linear.scatter [tilespmem:s19], [sflag:$0x2], $0x4800, $0x38;
	[tilespmem:$0x1FB80] =	vst v63  }
0xd5: {  	_ =	swait.ge [sflag:s18], $0x4800  }
0xd6: {  	[sflag:s18] =	ssyncset.done $0x0  }
0xd7: {  	[sflag:s18] =	ssyncadd.s32 $0xFFFFB800  }
0xd8: {  	[tilespmem:s19], [sflag:$0x2] =	stream.indirect.gather [spmem:s1], $0x90, s23, s20, $0xb8;
	[tilespmem:$0x1FB80] =	vst v63  }
0xd9: {  	_ =	swait.ge [sflag:s18], $0x4800  }
0xda: {  	[sflag:s18] =	ssyncset.done $0x0  }
0xdb: {  	[sflag:s18] =	ssyncadd.s32 $0xFFFFB800  }
0xdc: {  	[hbm4b:s11+s2] =	stream.linear.scatter [tilespmem:s19], [sflag:$0x2], $0x4800, $0x38;
	[tilespmem:$0x1FB80] =	vst v63  }
0xdd: {  	_ =	swait.ge [sflag:s18], $0x4800  }
0xde: {  	[sflag:s18] =	ssyncset.done $0x0  }
0xdf: {  	[sflag:s18] =	ssyncadd.s32 $0xFFFFB800  }
0xe0: {  	[tilespmem:s19], [sflag:$0x2] =	stream.indirect.gather [spmem:s1], $0x90, s24, s20, $0xb8;
	[tilespmem:$0x1FB80] =	vst v63  }
0xe1: {  	s5 =	sadd.s32 $0x1, s5;
	_ =	swait.ge [sflag:s18], $0x4800  }
0xe2: {  	p0 =	sne.s32 s5, s13;
	[sflag:s18] =	ssyncset.done $0x0  }
.Ltmp1:
0xe3: {  	[sflag:s18] =	ssyncadd.s32 $0xFFFFB800;
	(pc) =	sbr.rel @p0 .LBB2_1-.Ltmp1, $4  }
0xe4: {  	[hbm4b:s12+s2] =	stream.linear.scatter [tilespmem:s19], [sflag:$0x2], $0x4380, $0x38;
	[tilespmem:$0x1FB80] =	vst v63  }
0xe5: {  	_ =	swait.ge [sflag:s18], $0x4380  }
0xe6: {  	[sflag:s18] =	ssyncset.done $0x0  }
0xe7: {  	[sflag:s18] =	ssyncadd.s32 $0xFFFFBC80  }
0xe8: {  	_ =	sfence.sel $0x180000  }
0xe9: {  	[bflag:$0x0] =	sbarrier.arrive $0xFFFF  }
0xea: {  	_ =	strace $0x90000047  }
0xeb: {  	s0 =	stileid.u32;
	[bflag:$0x2] =	sbarrier.arrive $0xFFFF  }
0xec: {  	p0 =	sne.s32 s0, $0x0;
	s0 =	rddreg [dreg:$0x3]  }
0xed: {  	s0 =	sadd.s32 @!p0 $0x100000, s0  }
0xee: {  	[sflag:s0] =	ssyncadd.tile.s32 @!p0 $0x1;
	_ =	shalt  }
.Lfunc_end2:
_tile_overlayer_lowered:
.L_overlay_start_2:
0xef: {  	(tag) =	ssettag $0x2  }
0xf0: {  	s0 =	rddreg [dreg:$0x0];
	s2 =	stileid.u32  }
0xf1: {  	s1 =	rddreg [dreg:$0x1];
	p0 =	sne.s32 s2, $0x0  }
0xf2: {  	s3 =	rddreg [dreg:$0x2];
	[bflag:$0x3] =	sbarrier.arrive $0xFFFF;
	s2 =	simm.s32 @!p0 $0x1C02  }
0xf3: {  	[timem:s3], [sflag:s2] =	dma.local @!p0 [hbm:s0], s1  }
0xf4: {  	s0 =	simm.s32 @!p0 $0x2  }
0xf5: {  	_ =	swait.ge @!p0 [sflag:s0], s1  }
0xf6: {  	s1 =	ssub.s32 @!p0 $0x0, s1;
	[sflag:s0] =	ssyncset.done @!p0 $0x0  }
0xf7: {  	[sflag:s0] =	ssyncadd.s32 @!p0 s1  }
0xf8: {  	[bflag:$0x3] =	sbarrier.arrive $0xFFFF  }
0xf9: {  	_ =	shalt  }

</sc_bundles>
